<compile_context>
chip_gen: v7x
topology: tpu7x:2x2x1
jax: 0.10.2.dev20260603
libtpu: 0.0.44.dev20260713+nightly
codegen_flags: <defaults>
</compile_context>

<pallas_src>
import functools

import jax
import jax.numpy as jnp
from jax import lax
from jax.experimental import pallas as pl
from jax.experimental.pallas import tpu as pltpu
from jax.experimental.pallas import tpu_sc as plsc

N = 10000
D = 512
K = 33
KST = 48
NPAD = 10240
R = 128
NB = NPAD // R
E = N * K
NW = 32
RW = NPAD // NW
CHUNK = 10320
EPAD = CHUNK * NW
NC16 = N // 16
NEG = float("-inf")
BIGI = 1 << 30
NSTAT = 8



def _mlp_body(f_ref, w1t_ref, b1_ref, w2t_ref, b2_ref, emb_ref, xn_ref):
    f = f_ref[...]
    h = jnp.dot(f, w1t_ref[...], preferred_element_type=jnp.float32)
    h = jnp.maximum(h + b1_ref[...], 0.0)
    e = jnp.dot(h, w2t_ref[...], preferred_element_type=jnp.float32)
    e = e + b2_ref[...]
    emb_ref[...] = e
    nrm = jnp.sqrt(jnp.sum(e * e, axis=1, keepdims=True))
    xn_ref[...] = e / jnp.maximum(nrm, 1e-12)


def _mlp_call(f, w1t, b1r, w2t, b2r):
    return pl.pallas_call(
        _mlp_body,
        grid=(NB,),
        in_specs=[
            pl.BlockSpec((R, D), lambda i: (i, 0)),
            pl.BlockSpec((D, D), lambda i: (0, 0)),
            pl.BlockSpec((1, D), lambda i: (0, 0)),
            pl.BlockSpec((D, D), lambda i: (0, 0)),
            pl.BlockSpec((1, D), lambda i: (0, 0)),
        ],
        out_specs=[
            pl.BlockSpec((R, D), lambda i: (i, 0)),
            pl.BlockSpec((R, D), lambda i: (i, 0)),
        ],
        out_shape=[
            jax.ShapeDtypeStruct((NPAD, D), jnp.float32),
            jax.ShapeDtypeStruct((NPAD, D), jnp.float32),
        ],
    )(f, w1t, b1r, w2t, b2r)



def _sim_body(xb_ref, xnt_ref, out_ref):
    out_ref[...] = jnp.dot(xb_ref[...], xnt_ref[...],
                           preferred_element_type=jnp.float32)


def _sim_call(xn, xnt):
    return pl.pallas_call(
        _sim_body,
        grid=(NB,),
        in_specs=[
            pl.BlockSpec((R, D), lambda i: (i, 0)),
            pl.BlockSpec((D, NPAD), lambda i: (0, 0)),
        ],
        out_specs=pl.BlockSpec((R, NPAD), lambda i: (i, 0)),
        out_shape=jax.ShapeDtypeStruct((NPAD, NPAD), jnp.float32),
    )(xn, xnt)



def _sctopk_body(sim_hbm, vals_hbm, inds_hbm, pn_hbm,
                 rowbuf, cand_v, candi_v, norm_v, valout, indout):
    wid = lax.axis_index("s") * 2 + lax.axis_index("c")
    base_row = wid * RW
    i16 = lax.broadcasted_iota(jnp.int32, (16,), 0)
    negv = jnp.zeros((16,), jnp.float32) + NEG
    lane0 = i16 == 0

    def zinit(q, c):
        norm_v[pl.ds(q * 16, 16)] = jnp.zeros((16,), jnp.float32)
        return c
    lax.fori_loop(0, (NPAD + 16) // 16, zinit, 0)

    def row_body(r, carry0):
        pltpu.sync_copy(sim_hbm.at[base_row + r], rowbuf)
        for q in range(15):
            rowbuf[pl.ds(N + q * 16, 16)] = negv

        def p1(i, bs):
            b0, b1, b2, b3 = bs
            o = i * 64
            return (jnp.maximum(b0, rowbuf[pl.ds(o, 16)]),
                    jnp.maximum(b1, rowbuf[pl.ds(o + 16, 16)]),
                    jnp.maximum(b2, rowbuf[pl.ds(o + 32, 16)]),
                    jnp.maximum(b3, rowbuf[pl.ds(o + 48, 16)]))
        b0, b1, b2, b3 = lax.fori_loop(0, 160, p1, (negv, negv, negv, negv))

        def tsel(j, st):
            c0, c1, c2, c3, _ = st
            mm = jnp.maximum(jnp.maximum(c0, c1), jnp.maximum(c2, c3))
            m = jnp.max(mm)
            return (jnp.where(c0 == m, negv, c0), jnp.where(c1 == m, negv, c1),
                    jnp.where(c2 == m, negv, c2), jnp.where(c3 == m, negv, c3),
                    m)
        t = lax.fori_loop(0, K, tsel, (b0, b1, b2, b3, jnp.float32(0)))[4]

        for q in range(NSTAT + 1):
            cand_v[pl.ds(q * 16, 16)] = negv

        def p2(g, ptr):
            o = g * 64
            v0 = rowbuf[pl.ds(o, 16)]
            v1 = rowbuf[pl.ds(o + 16, 16)]
            v2 = rowbuf[pl.ds(o + 32, 16)]
            v3 = rowbuf[pl.ds(o + 48, 16)]
            gm = jnp.maximum(jnp.maximum(v0, v1), jnp.maximum(v2, v3))

            def dostore(p):
                for off in (0, 16, 32, 48):
                    vv = rowbuf[pl.ds(o + off, 16)]
                    msk = vv >= t
                    cnt = jnp.max(plsc.all_reduce_population_count(msk))
                    plsc.store_compressed(cand_v.at[pl.ds(p, 16)], vv,
                                          mask=msk)
                    plsc.store_compressed(candi_v.at[pl.ds(p, 16)],
                                          i16 + (o + off), mask=msk)
                    p = p + cnt
                return p
            return lax.cond(jnp.max(gm) >= t, dostore, lambda p: p, ptr)
        ptr = lax.fori_loop(0, 160, p2, jnp.int32(0))
        cand_v[pl.ds(ptr, 16)] = negv
        nv = (ptr + 15) // 16

        ob = r * KST
        valout[pl.ds(ob + 32, 16)] = jnp.zeros((16,), jnp.float32)
        indout[pl.ds(ob + 32, 16)] = i16 + NPAD

        def make_extract(dyn):
            def extract(j, nr):
                mm = negv
                for q in range(NSTAT):
                    mm = jnp.maximum(mm, cand_v[pl.ds(q * 16, 16)])
                if dyn:
                    def dmax(q, acc):
                        return jnp.maximum(acc, cand_v[pl.ds(q * 16, 16)])
                    mm = lax.fori_loop(NSTAT, nv, dmax, mm)
                m = jnp.max(mm)

                best = jnp.int32(BIGI)
                for q in range(NSTAT):
                    v = cand_v[pl.ds(q * 16, 16)]
                    iv = candi_v[pl.ds(q * 16, 16)]
                    best = jnp.minimum(best,
                                       jnp.min(jnp.where(v == m, iv, BIGI)))
                if dyn:
                    def didx(q, acc):
                        v = cand_v[pl.ds(q * 16, 16)]
                        iv = candi_v[pl.ds(q * 16, 16)]
                        return jnp.minimum(
                            acc, jnp.min(jnp.where(v == m, iv, BIGI)))
                    best = lax.fori_loop(NSTAT, nv, didx, best)

                for q in range(NSTAT):
                    v = cand_v[pl.ds(q * 16, 16)]
                    iv = candi_v[pl.ds(q * 16, 16)]
                    cand_v[pl.ds(q * 16, 16)] = jnp.where(iv == best, negv, v)
                if dyn:
                    def dmask(q, c):
                        v = cand_v[pl.ds(q * 16, 16)]
                        iv = candi_v[pl.ds(q * 16, 16)]
                        cand_v[pl.ds(q * 16, 16)] = jnp.where(iv == best,
                                                              negv, v)
                        return c
                    lax.fori_loop(NSTAT, nv, dmask, 0)

                mv = jnp.zeros((16,), jnp.float32) + m
                bv = jnp.zeros((16,), jnp.int32) + best
                plsc.store_compressed(valout.at[pl.ds(ob + j, 16)], mv,
                                      mask=lane0)
                plsc.store_compressed(indout.at[pl.ds(ob + j, 16)], bv,
                                      mask=lane0)
                return nr + m
            return extract

        nr = lax.cond(
            nv <= NSTAT,
            lambda: lax.fori_loop(0, K, make_extract(False), jnp.float32(0)),
            lambda: lax.fori_loop(0, K, make_extract(True), jnp.float32(0)))

        @pl.when(base_row + r < N)
        def _acc():
            for q in range(3):
                v = valout[pl.ds(ob + q * 16, 16)]
                iv = indout[pl.ds(ob + q * 16, 16)]
                plsc.addupdate_scatter(norm_v, [iv], v)
            plsc.addupdate_scatter(norm_v, [i16 + (base_row + r)],
                                   jnp.zeros((16,), jnp.float32) + nr,
                                   mask=lane0)
        return carry0

    lax.fori_loop(0, RW, row_body, 0)

    pltpu.sync_copy(valout, vals_hbm.at[pl.ds(base_row * KST, RW * KST)])
    pltpu.sync_copy(indout, inds_hbm.at[pl.ds(base_row * KST, RW * KST)])
    pltpu.sync_copy(norm_v.at[pl.ds(0, NPAD)], pn_hbm.at[wid])


def _sctopk_call(sim):
    call = functools.partial(
        pl.kernel,
        mesh=plsc.VectorSubcoreMesh(core_axis_name="c", subcore_axis_name="s"),
        compiler_params=pltpu.CompilerParams(needs_layout_passes=False),
        out_type=[
            jax.ShapeDtypeStruct((NPAD * KST,), jnp.float32),
            jax.ShapeDtypeStruct((NPAD * KST,), jnp.int32),
            jax.ShapeDtypeStruct((NW, NPAD), jnp.float32),
        ],
        scratch_types=[
            pltpu.VMEM((NPAD,), jnp.float32),
            pltpu.VMEM((NPAD,), jnp.float32),
            pltpu.VMEM((NPAD,), jnp.int32),
            pltpu.VMEM((NPAD + 16,), jnp.float32),
            pltpu.VMEM((RW * KST,), jnp.float32),
            pltpu.VMEM((RW * KST,), jnp.int32),
        ],
    )(_sctopk_body)
    return call(sim)



def _norm_body(pn_ref, rn_ref):
    rn_ref[...] = lax.rsqrt(jnp.sum(pn_ref[...], axis=0, keepdims=True))


def _norm_call(pn):
    return pl.pallas_call(
        _norm_body,
        out_shape=jax.ShapeDtypeStruct((1, NPAD), jnp.float32),
    )(pn)



def _edge_body(vals_hbm, rows_hbm, cols_hbm, rn_hbm, out_hbm,
               vals_v, rows_v, cols_v, rn_v, out_v):
    wid = lax.axis_index("s") * 2 + lax.axis_index("c")
    base = wid * CHUNK
    pltpu.sync_copy(rn_hbm, rn_v)
    pltpu.sync_copy(vals_hbm.at[pl.ds(base, CHUNK)], vals_v)
    pltpu.sync_copy(rows_hbm.at[pl.ds(base, CHUNK)], rows_v)
    pltpu.sync_copy(cols_hbm.at[pl.ds(base, CHUNK)], cols_v)

    def body(i, carry):
        s = pl.ds(i * 16, 16)
        c = cols_v[s]
        r = rows_v[s]
        v = vals_v[s]
        rc = plsc.load_gather(rn_v, [c])
        rr = plsc.load_gather(rn_v, [r])
        out_v[s] = v * rc * rr
        return carry

    lax.fori_loop(0, CHUNK // 16, body, 0)
    pltpu.sync_copy(out_v, out_hbm.at[pl.ds(base, CHUNK)])


def _edge_call(*args):
    call = functools.partial(
        pl.kernel,
        mesh=plsc.VectorSubcoreMesh(core_axis_name="c", subcore_axis_name="s"),
        compiler_params=pltpu.CompilerParams(needs_layout_passes=False),
        out_type=jax.ShapeDtypeStruct((EPAD,), jnp.float32),
        scratch_types=[
            pltpu.VMEM((CHUNK,), jnp.float32),
            pltpu.VMEM((CHUNK,), jnp.int32),
            pltpu.VMEM((CHUNK,), jnp.int32),
            pltpu.VMEM((NPAD,), jnp.float32),
            pltpu.VMEM((CHUNK,), jnp.float32),
        ],
    )(_edge_body)
    return call(*args)



def kernel(features, W1, b1, W2, b2):
    f = jnp.pad(features, ((0, NPAD - N), (0, 0)))
    emb, xn = _mlp_call(f, W1.T, b1.reshape(1, D), W2.T, b2.reshape(1, D))
    sim = _sim_call(xn, xn.T)
    vals48, inds48, pn = _sctopk_call(sim)
    rn = _norm_call(pn)

    vals = vals48.reshape(NPAD, KST)[:N, :K]
    inds = inds48.reshape(NPAD, KST)[:N, :K]
    rows = jnp.repeat(jnp.arange(N, dtype=jnp.int32), K)
    cols = inds.reshape(-1)
    vflat = vals.reshape(-1)

    w = _edge_call(
        jnp.pad(vflat, (0, EPAD - E)),
        jnp.pad(rows, (0, EPAD - E)),
        jnp.pad(cols, (0, EPAD - E)),
        rn.reshape(NPAD),
    )
    edge_weight = w[:E]
    edge_index = jnp.stack([rows, cols])
    return (edge_index, edge_weight, emb[:N])

# --- scband reference (transcript-rebuilt; emitter-appended) ---
"""Pipeline reference for scband-mlp-learner-17308718202948 (READ-ONLY COPY).

The authoritative reference and input builder live on the scoring server;
editing this copy changes nothing except your own understanding.
"""

import jax, jax.numpy as jnp
import numpy as np


def knn_fast(X, k, b):
    nrm = jnp.sqrt(jnp.sum(X * X, axis=1, keepdims=True))
    X = X / jnp.maximum(nrm, 1e-12)
    N = X.shape[0]
    vals_list = []
    inds_list = []
    for start in range(0, N, b):
        end = min(start + b, N)
        sim = X[start:end] @ X.T
        v, i = jax.lax.top_k(sim, k + 1)
        vals_list.append(v)
        inds_list.append(i)
    vals = jnp.concatenate(vals_list, axis=0)
    inds = jnp.concatenate(inds_list, axis=0)
    rows = jnp.repeat(jnp.arange(N), k + 1)
    cols = inds.reshape(-1)
    values = vals.reshape(-1)
    norm_row = jnp.sum(vals, axis=1)
    norm_col = jnp.zeros((N,), dtype=values.dtype).at[cols].add(values)
    norm = norm_row + norm_col
    values = values * (norm[rows] ** -0.5) * (norm[cols] ** -0.5)
    edge_index = jnp.stack([rows, cols])
    return edge_index, values


def setup_inputs(seed: int = 0):
    key = jax.random.key(seed)
    ks = jax.random.split(key, 5)
    N = 10000
    isize = 512
    features = jax.random.normal(ks[0], (N, isize), dtype=jnp.float32)
    s = 1.0 / np.sqrt(isize)
    W1 = jax.random.uniform(ks[1], (isize, isize), minval=-s, maxval=s, dtype=jnp.float32)
    b1 = jax.random.uniform(ks[2], (isize,), minval=-s, maxval=s, dtype=jnp.float32)
    W2 = jax.random.uniform(ks[3], (isize, isize), minval=-s, maxval=s, dtype=jnp.float32)
    b2 = jax.random.uniform(ks[4], (isize,), minval=-s, maxval=s, dtype=jnp.float32)
    return {"features": features, "W1": W1, "b1": b1, "W2": W2, "b2": b2}


def reference(features, W1, b1, W2, b2):
    k = 32
    h = jax.nn.relu(features @ W1.T + b1)
    embeddings = h @ W2.T + b2
    edge_index, edge_weight = knn_fast(embeddings, k, 1000)
    return (edge_index, edge_weight, embeddings)

if __name__ == "__main__":
    import jax
    _d = setup_inputs()
    print(jax.jit(kernel)(*tuple(_d.values())))

</pallas_src>

<mosaic_0001>
#map = affine_map<(d0, d1) -> (0)>
module attributes {stable_mosaic.version = 14 : i64} {
  func.func @_edge_body(%arg0: i32, %arg1: i32, %arg2: memref<330240xf32, #tpu.memory_space<hbm>>, %arg3: memref<330240xi32, #tpu.memory_space<hbm>>, %arg4: memref<330240xi32, #tpu.memory_space<hbm>>, %arg5: memref<10240xf32, #tpu.memory_space<hbm>>, %arg6: memref<330240xf32, #tpu.memory_space<hbm>>, %arg7: memref<10320xf32, #tpu.memory_space<vmem>>, %arg8: memref<10320xi32, #tpu.memory_space<vmem>>, %arg9: memref<10320xi32, #tpu.memory_space<vmem>>, %arg10: memref<10240xf32, #tpu.memory_space<vmem>>, %arg11: memref<10320xf32, #tpu.memory_space<vmem>>) attributes {dimension_semantics = [#tpu.dimension_semantics<core_parallel>, #tpu.dimension_semantics<subcore_parallel>], iteration_bounds = array<i64: 2, 16>, scalar_prefetch = 0 : i64, scratch_operands = 5 : i64, tpu.core_type = #tpu.core_type<sc_vector_subcore>, window_params = [{transform_indices = #map}, {transform_indices = #map}, {transform_indices = #map}, {transform_indices = #map}, {transform_indices = #map}]} {
    %mul3A = arith.constant 2 : i32
    %mul3A_0 = arith.muli %arg1, %mul3A : i32
    %add3A = arith.addi %mul3A_0, %arg0 : i32
    %mul3A_1 = arith.constant 10320 : i32
    %mul3A_2 = arith.muli %add3A, %mul3A_1 : i32
    "tpu.region"() ({
      %run_scoped3A = tpu.sem_alloc : memref<!tpu.dma_semaphore, #tpu.memory_space<semaphore_mem>>
      tpu.enqueue_dma source(%arg5 : memref<10240xf32, #tpu.memory_space<hbm>>) target(%arg10 : memref<10240xf32, #tpu.memory_space<vmem>>) target_semaphore(%run_scoped3A : memref<!tpu.dma_semaphore, #tpu.memory_space<semaphore_mem>>)
      tpu.wait_dma2 semaphore(%run_scoped3A : memref<!tpu.dma_semaphore, #tpu.memory_space<semaphore_mem>>) src(%arg5 : memref<10240xf32, #tpu.memory_space<hbm>>) dst(%arg10 : memref<10240xf32, #tpu.memory_space<vmem>>)
      tpu.yield
    }) : () -> ()
    "tpu.region"() ({
      %run_scoped3A = tpu.sem_alloc : memref<!tpu.dma_semaphore, #tpu.memory_space<semaphore_mem>>
      %dma_start3A = tpu.memref_slice %arg2[%mul3A_2] : memref<330240xf32, #tpu.memory_space<hbm>> -> memref<10320xf32, #tpu.memory_space<hbm>>
      %dma_start3A_8 = tpu.memref_slice %arg2[%mul3A_2] : memref<330240xf32, #tpu.memory_space<hbm>> -> memref<10320xf32, #tpu.memory_space<hbm>>
      tpu.enqueue_dma source(%dma_start3A_8 : memref<10320xf32, #tpu.memory_space<hbm>>) target(%arg7 : memref<10320xf32, #tpu.memory_space<vmem>>) target_semaphore(%run_scoped3A : memref<!tpu.dma_semaphore, #tpu.memory_space<semaphore_mem>>)
      %dma_wait3A = tpu.memref_slice %arg2[%mul3A_2] : memref<330240xf32, #tpu.memory_space<hbm>> -> memref<10320xf32, #tpu.memory_space<hbm>>
      %dma_wait3A_9 = tpu.memref_slice %arg2[%mul3A_2] : memref<330240xf32, #tpu.memory_space<hbm>> -> memref<10320xf32, #tpu.memory_space<hbm>>
      tpu.wait_dma2 semaphore(%run_scoped3A : memref<!tpu.dma_semaphore, #tpu.memory_space<semaphore_mem>>) src(%dma_wait3A_9 : memref<10320xf32, #tpu.memory_space<hbm>>) dst(%arg7 : memref<10320xf32, #tpu.memory_space<vmem>>)
      tpu.yield
    }) : () -> ()
    "tpu.region"() ({
      %run_scoped3A = tpu.sem_alloc : memref<!tpu.dma_semaphore, #tpu.memory_space<semaphore_mem>>
      %dma_start3A = tpu.memref_slice %arg3[%mul3A_2] : memref<330240xi32, #tpu.memory_space<hbm>> -> memref<10320xi32, #tpu.memory_space<hbm>>
      %dma_start3A_8 = tpu.memref_slice %arg3[%mul3A_2] : memref<330240xi32, #tpu.memory_space<hbm>> -> memref<10320xi32, #tpu.memory_space<hbm>>
      tpu.enqueue_dma source(%dma_start3A_8 : memref<10320xi32, #tpu.memory_space<hbm>>) target(%arg8 : memref<10320xi32, #tpu.memory_space<vmem>>) target_semaphore(%run_scoped3A : memref<!tpu.dma_semaphore, #tpu.memory_space<semaphore_mem>>)
      %dma_wait3A = tpu.memref_slice %arg3[%mul3A_2] : memref<330240xi32, #tpu.memory_space<hbm>> -> memref<10320xi32, #tpu.memory_space<hbm>>
      %dma_wait3A_9 = tpu.memref_slice %arg3[%mul3A_2] : memref<330240xi32, #tpu.memory_space<hbm>> -> memref<10320xi32, #tpu.memory_space<hbm>>
      tpu.wait_dma2 semaphore(%run_scoped3A : memref<!tpu.dma_semaphore, #tpu.memory_space<semaphore_mem>>) src(%dma_wait3A_9 : memref<10320xi32, #tpu.memory_space<hbm>>) dst(%arg8 : memref<10320xi32, #tpu.memory_space<vmem>>)
      tpu.yield
    }) : () -> ()
    "tpu.region"() ({
      %run_scoped3A = tpu.sem_alloc : memref<!tpu.dma_semaphore, #tpu.memory_space<semaphore_mem>>
      %dma_start3A = tpu.memref_slice %arg4[%mul3A_2] : memref<330240xi32, #tpu.memory_space<hbm>> -> memref<10320xi32, #tpu.memory_space<hbm>>
      %dma_start3A_8 = tpu.memref_slice %arg4[%mul3A_2] : memref<330240xi32, #tpu.memory_space<hbm>> -> memref<10320xi32, #tpu.memory_space<hbm>>
      tpu.enqueue_dma source(%dma_start3A_8 : memref<10320xi32, #tpu.memory_space<hbm>>) target(%arg9 : memref<10320xi32, #tpu.memory_space<vmem>>) target_semaphore(%run_scoped3A : memref<!tpu.dma_semaphore, #tpu.memory_space<semaphore_mem>>)
      %dma_wait3A = tpu.memref_slice %arg4[%mul3A_2] : memref<330240xi32, #tpu.memory_space<hbm>> -> memref<10320xi32, #tpu.memory_space<hbm>>
      %dma_wait3A_9 = tpu.memref_slice %arg4[%mul3A_2] : memref<330240xi32, #tpu.memory_space<hbm>> -> memref<10320xi32, #tpu.memory_space<hbm>>
      tpu.wait_dma2 semaphore(%run_scoped3A : memref<!tpu.dma_semaphore, #tpu.memory_space<semaphore_mem>>) src(%dma_wait3A_9 : memref<10320xi32, #tpu.memory_space<hbm>>) dst(%arg9 : memref<10320xi32, #tpu.memory_space<vmem>>)
      tpu.yield
    }) : () -> ()
    %scan3A = arith.constant 0 : i32
    %scan3A_3 = arith.constant 0 : i32
    %scan3A_4 = arith.constant 645 : i32
    %scan3A_5 = arith.addi %scan3A_3, %scan3A_4 : i32
    %scan3A_6 = arith.constant 1 : i32
    scf.for %scan3A_8 = %scan3A_3 to %scan3A_5 step %scan3A_6  : i32 {
      %mul3A_9 = arith.constant 16 : i32
      %mul3A_10 = arith.muli %scan3A_8, %mul3A_9 : i32
      %get3A = arith.index_cast %mul3A_10 : i32 to index
      %get3A_11 = tpu.vector_load %arg9[%get3A] {strides = array<i32>} : memref<10320xi32, #tpu.memory_space<vmem>>, vector<16xi32>,
      %get3A_12 = arith.index_cast %mul3A_10 : i32 to index
      %get3A_13 = tpu.vector_load %arg8[%get3A_12] {strides = array<i32>} : memref<10320xi32, #tpu.memory_space<vmem>>, vector<16xi32>,
      %get3A_14 = arith.index_cast %mul3A_10 : i32 to index
      %get3A_15 = tpu.vector_load %arg7[%get3A_14] {strides = array<i32>} : memref<10320xf32, #tpu.memory_space<vmem>>, vector<16xf32>,
      %gather3A = tpu.vector_load_idx %arg10[%get3A_11] : memref<10240xf32, #tpu.memory_space<vmem>>[vector<16xi32>], vector<16xf32>,
      %gather3A_16 = tpu.vector_load_idx %arg10[%get3A_13] : memref<10240xf32, #tpu.memory_space<vmem>>[vector<16xi32>], vector<16xf32>,
      %mul3A_17 = arith.mulf %get3A_15, %gather3A : vector<16xf32>
      %mul3A_18 = arith.mulf %mul3A_17, %gather3A_16 : vector<16xf32>
      %swap3A = arith.index_cast %mul3A_10 : i32 to index
      %swap3A_19 = tpu.vector_load %arg11[%swap3A] {strides = array<i32>} : memref<10320xf32, #tpu.memory_space<vmem>>, vector<16xf32>,
      tpu.vector_store %arg11[%swap3A], %mul3A_18 {strides = array<i32>} : memref<10320xf32, #tpu.memory_space<vmem>>, vector<16xf32>,
    }
    %scan3A_7 = arith.constant 645 : i32
    "tpu.region"() ({
      %run_scoped3A = tpu.sem_alloc : memref<!tpu.dma_semaphore, #tpu.memory_space<semaphore_mem>>
      %dma_start3A = tpu.memref_slice %arg6[%mul3A_2] : memref<330240xf32, #tpu.memory_space<hbm>> -> memref<10320xf32, #tpu.memory_space<hbm>>
      %dma_start3A_8 = tpu.memref_slice %arg6[%mul3A_2] : memref<330240xf32, #tpu.memory_space<hbm>> -> memref<10320xf32, #tpu.memory_space<hbm>>
      tpu.enqueue_dma source(%arg11 : memref<10320xf32, #tpu.memory_space<vmem>>) target(%dma_start3A_8 : memref<10320xf32, #tpu.memory_space<hbm>>) target_semaphore(%run_scoped3A : memref<!tpu.dma_semaphore, #tpu.memory_space<semaphore_mem>>)
      %dma_wait3A = tpu.memref_slice %arg6[%mul3A_2] : memref<330240xf32, #tpu.memory_space<hbm>> -> memref<10320xf32, #tpu.memory_space<hbm>>
      %dma_wait3A_9 = tpu.memref_slice %arg6[%mul3A_2] : memref<330240xf32, #tpu.memory_space<hbm>> -> memref<10320xf32, #tpu.memory_space<hbm>>
      tpu.wait_dma2 semaphore(%run_scoped3A : memref<!tpu.dma_semaphore, #tpu.memory_space<semaphore_mem>>) src(%arg11 : memref<10320xf32, #tpu.memory_space<vmem>>) dst(%dma_wait3A_9 : memref<10320xf32, #tpu.memory_space<hbm>>)
      tpu.yield
    }) : () -> ()
    return
  }
}

#map = affine_map<(d0, d1) -> (0, 0)>
#map1 = affine_map<(d0, d1) -> (0)>
module attributes {stable_mosaic.version = 14 : i64} {
  func.func @_sctopk_body(%arg0: i32, %arg1: i32, %arg2: memref<10240x10240xf32, #tpu.memory_space<hbm>>, %arg3: memref<491520xf32, #tpu.memory_space<hbm>>, %arg4: memref<491520xi32, #tpu.memory_space<hbm>>, %arg5: memref<32x10240xf32, #tpu.memory_space<hbm>>, %arg6: memref<10240xf32, #tpu.memory_space<vmem>>, %arg7: memref<10240xf32, #tpu.memory_space<vmem>>, %arg8: memref<10240xi32, #tpu.memory_space<vmem>>, %arg9: memref<10256xf32, #tpu.memory_space<vmem>>, %arg10: memref<15360xf32, #tpu.memory_space<vmem>>, %arg11: memref<15360xi32, #tpu.memory_space<vmem>>) attributes {dimension_semantics = [#tpu.dimension_semantics<core_parallel>, #tpu.dimension_semantics<subcore_parallel>], iteration_bounds = array<i64: 2, 16>, scalar_prefetch = 0 : i64, scratch_operands = 6 : i64, tpu.core_type = #tpu.core_type<sc_vector_subcore>, window_params = [{transform_indices = #map}, {transform_indices = #map1}, {transform_indices = #map1}, {transform_indices = #map}]} {
    %mul3A = arith.constant 2 : i32
    %mul3A_0 = arith.muli %arg1, %mul3A : i32
    %add3A = arith.addi %mul3A_0, %arg0 : i32
    %mul3A_1 = arith.constant 320 : i32
    %mul3A_2 = arith.muli %add3A, %mul3A_1 : i32
    %iota3A = tpu.iota {dimensions = array<i32: 0>} : vector<16xi32>
    %broadcast_in_dim3A = arith.constant 0.000000e+00 : f32
    %broadcast_in_dim3A_3 = vector.broadcast %broadcast_in_dim3A : f32 to vector<16xf32>
    %add3A_4 = arith.constant 0xFF800000 : f32
    %add3A_5 = vector.broadcast %add3A_4 : f32 to vector<16xf32>
    %add3A_6 = arith.addf %broadcast_in_dim3A_3, %add3A_5 : vector<16xf32>
    %eq3A = arith.constant 0 : i32
    %eq3A_7 = vector.broadcast %eq3A : i32 to vector<16xi32>
    %eq3A_8 = arith.cmpi eq, %iota3A, %eq3A_7 : vector<16xi32>
    %scan3A = arith.constant 0 : i32
    %scan3A_9 = arith.constant 0 : i32
    %scan3A_10 = arith.constant 641 : i32
    %scan3A_11 = arith.addi %scan3A_9, %scan3A_10 : i32
    %scan3A_12 = arith.constant 1 : i32
    scf.for %scan3A_24 = %scan3A_9 to %scan3A_11 step %scan3A_12  : i32 {
      %broadcast_in_dim3A_25 = arith.constant 0.000000e+00 : f32
      %broadcast_in_dim3A_26 = vector.broadcast %broadcast_in_dim3A_25 : f32 to vector<16xf32>
      %mul3A_27 = arith.constant 16 : i32
      %mul3A_28 = arith.muli %scan3A_24, %mul3A_27 : i32
      %swap3A = arith.index_cast %mul3A_28 : i32 to index
      %swap3A_29 = tpu.vector_load %arg9[%swap3A] {strides = array<i32>} : memref<10256xf32, #tpu.memory_space<vmem>>, vector<16xf32>,
      tpu.vector_store %arg9[%swap3A], %broadcast_in_dim3A_26 {strides = array<i32>} : memref<10256xf32, #tpu.memory_space<vmem>>, vector<16xf32>,
    }
    %scan3A_13 = arith.constant 641 : i32
    %scan3A_14 = arith.constant 0 : i32
    %scan3A_15 = arith.constant 0 : i32
    %scan3A_16 = arith.constant 320 : i32
    %scan3A_17 = arith.addi %scan3A_15, %scan3A_16 : i32
    %scan3A_18 = arith.constant 1 : i32
    scf.for %scan3A_24 = %scan3A_15 to %scan3A_17 step %scan3A_18  : i32 {
      %add3A_25 = arith.addi %mul3A_2, %scan3A_24 : i32
      "tpu.region"() ({
        %run_scoped3A = tpu.sem_alloc : memref<!tpu.dma_semaphore, #tpu.memory_space<semaphore_mem>>
        %dma_start3A = arith.constant 0 : i32
        %dma_start3A_136 = tpu.memref_slice %arg2[%add3A_25, %dma_start3A] : memref<10240x10240xf32, #tpu.memory_space<hbm>> -> memref<1x10240xf32, #tpu.memory_space<hbm>>
        %dma_start3A_137 = tpu.memref_squeeze %dma_start3A_136 : memref<1x10240xf32, #tpu.memory_space<hbm>> -> memref<10240xf32, #tpu.memory_space<hbm>>
        %dma_start3A_138 = arith.constant 0 : i32
        %dma_start3A_139 = tpu.memref_slice %arg2[%add3A_25, %dma_start3A_138] : memref<10240x10240xf32, #tpu.memory_space<hbm>> -> memref<1x10240xf32, #tpu.memory_space<hbm>>
        %dma_start3A_140 = tpu.memref_squeeze %dma_start3A_139 : memref<1x10240xf32, #tpu.memory_space<hbm>> -> memref<10240xf32, #tpu.memory_space<hbm>>
        tpu.enqueue_dma source(%dma_start3A_140 : memref<10240xf32, #tpu.memory_space<hbm>>) target(%arg6 : memref<10240xf32, #tpu.memory_space<vmem>>) target_semaphore(%run_scoped3A : memref<!tpu.dma_semaphore, #tpu.memory_space<semaphore_mem>>)
        %dma_wait3A = arith.constant 0 : i32
        %dma_wait3A_141 = tpu.memref_slice %arg2[%add3A_25, %dma_wait3A] : memref<10240x10240xf32, #tpu.memory_space<hbm>> -> memref<1x10240xf32, #tpu.memory_space<hbm>>
        %dma_wait3A_142 = tpu.memref_squeeze %dma_wait3A_141 : memref<1x10240xf32, #tpu.memory_space<hbm>> -> memref<10240xf32, #tpu.memory_space<hbm>>
        %dma_wait3A_143 = arith.constant 0 : i32
        %dma_wait3A_144 = tpu.memref_slice %arg2[%add3A_25, %dma_wait3A_143] : memref<10240x10240xf32, #tpu.memory_space<hbm>> -> memref<1x10240xf32, #tpu.memory_space<hbm>>
        %dma_wait3A_145 = tpu.memref_squeeze %dma_wait3A_144 : memref<1x10240xf32, #tpu.memory_space<hbm>> -> memref<10240xf32, #tpu.memory_space<hbm>>
        tpu.wait_dma2 semaphore(%run_scoped3A : memref<!tpu.dma_semaphore, #tpu.memory_space<semaphore_mem>>) src(%dma_wait3A_145 : memref<10240xf32, #tpu.memory_space<hbm>>) dst(%arg6 : memref<10240xf32, #tpu.memory_space<vmem>>)
        tpu.yield
      }) : () -> ()
      %swap3A = arith.constant 10000 : index
      %swap3A_26 = tpu.vector_load %arg6[%swap3A] {strides = array<i32>} : memref<10240xf32, #tpu.memory_space<vmem>>, vector<16xf32>,
      tpu.vector_store %arg6[%swap3A], %add3A_6 {strides = array<i32>} : memref<10240xf32, #tpu.memory_space<vmem>>, vector<16xf32>,
      %swap3A_27 = arith.constant 10016 : index
      %swap3A_28 = tpu.vector_load %arg6[%swap3A_27] {strides = array<i32>} : memref<10240xf32, #tpu.memory_space<vmem>>, vector<16xf32>,
      tpu.vector_store %arg6[%swap3A_27], %add3A_6 {strides = array<i32>} : memref<10240xf32, #tpu.memory_space<vmem>>, vector<16xf32>,
      %swap3A_29 = arith.constant 10032 : index
      %swap3A_30 = tpu.vector_load %arg6[%swap3A_29] {strides = array<i32>} : memref<10240xf32, #tpu.memory_space<vmem>>, vector<16xf32>,
      tpu.vector_store %arg6[%swap3A_29], %add3A_6 {strides = array<i32>} : memref<10240xf32, #tpu.memory_space<vmem>>, vector<16xf32>,
      %swap3A_31 = arith.constant 10048 : index
      %swap3A_32 = tpu.vector_load %arg6[%swap3A_31] {strides = array<i32>} : memref<10240xf32, #tpu.memory_space<vmem>>, vector<16xf32>,
      tpu.vector_store %arg6[%swap3A_31], %add3A_6 {strides = array<i32>} : memref<10240xf32, #tpu.memory_space<vmem>>, vector<16xf32>,
      %swap3A_33 = arith.constant 10064 : index
      %swap3A_34 = tpu.vector_load %arg6[%swap3A_33] {strides = array<i32>} : memref<10240xf32, #tpu.memory_space<vmem>>, vector<16xf32>,
      tpu.vector_store %arg6[%swap3A_33], %add3A_6 {strides = array<i32>} : memref<10240xf32, #tpu.memory_space<vmem>>, vector<16xf32>,
      %swap3A_35 = arith.constant 10080 : index
      %swap3A_36 = tpu.vector_load %arg6[%swap3A_35] {strides = array<i32>} : memref<10240xf32, #tpu.memory_space<vmem>>, vector<16xf32>,
      tpu.vector_store %arg6[%swap3A_35], %add3A_6 {strides = array<i32>} : memref<10240xf32, #tpu.memory_space<vmem>>, vector<16xf32>,
      %swap3A_37 = arith.constant 10096 : index
      %swap3A_38 = tpu.vector_load %arg6[%swap3A_37] {strides = array<i32>} : memref<10240xf32, #tpu.memory_space<vmem>>, vector<16xf32>,
      tpu.vector_store %arg6[%swap3A_37], %add3A_6 {strides = array<i32>} : memref<10240xf32, #tpu.memory_space<vmem>>, vector<16xf32>,
      %swap3A_39 = arith.constant 10112 : index
      %swap3A_40 = tpu.vector_load %arg6[%swap3A_39] {strides = array<i32>} : memref<10240xf32, #tpu.memory_space<vmem>>, vector<16xf32>,
      tpu.vector_store %arg6[%swap3A_39], %add3A_6 {strides = array<i32>} : memref<10240xf32, #tpu.memory_space<vmem>>, vector<16xf32>,
      %swap3A_41 = arith.constant 10128 : index
      %swap3A_42 = tpu.vector_load %arg6[%swap3A_41] {strides = array<i32>} : memref<10240xf32, #tpu.memory_space<vmem>>, vector<16xf32>,
      tpu.vector_store %arg6[%swap3A_41], %add3A_6 {strides = array<i32>} : memref<10240xf32, #tpu.memory_space<vmem>>, vector<16xf32>,
      %swap3A_43 = arith.constant 10144 : index
      %swap3A_44 = tpu.vector_load %arg6[%swap3A_43] {strides = array<i32>} : memref<10240xf32, #tpu.memory_space<vmem>>, vector<16xf32>,
      tpu.vector_store %arg6[%swap3A_43], %add3A_6 {strides = array<i32>} : memref<10240xf32, #tpu.memory_space<vmem>>, vector<16xf32>,
      %swap3A_45 = arith.constant 10160 : index
      %swap3A_46 = tpu.vector_load %arg6[%swap3A_45] {strides = array<i32>} : memref<10240xf32, #tpu.memory_space<vmem>>, vector<16xf32>,
      tpu.vector_store %arg6[%swap3A_45], %add3A_6 {strides = array<i32>} : memref<10240xf32, #tpu.memory_space<vmem>>, vector<16xf32>,
      %swap3A_47 = arith.constant 10176 : index
      %swap3A_48 = tpu.vector_load %arg6[%swap3A_47] {strides = array<i32>} : memref<10240xf32, #tpu.memory_space<vmem>>, vector<16xf32>,
      tpu.vector_store %arg6[%swap3A_47], %add3A_6 {strides = array<i32>} : memref<10240xf32, #tpu.memory_space<vmem>>, vector<16xf32>,
      %swap3A_49 = arith.constant 10192 : index
      %swap3A_50 = tpu.vector_load %arg6[%swap3A_49] {strides = array<i32>} : memref<10240xf32, #tpu.memory_space<vmem>>, vector<16xf32>,
      tpu.vector_store %arg6[%swap3A_49], %add3A_6 {strides = array<i32>} : memref<10240xf32, #tpu.memory_space<vmem>>, vector<16xf32>,
      %swap3A_51 = arith.constant 10208 : index
      %swap3A_52 = tpu.vector_load %arg6[%swap3A_51] {strides = array<i32>} : memref<10240xf32, #tpu.memory_space<vmem>>, vector<16xf32>,
      tpu.vector_store %arg6[%swap3A_51], %add3A_6 {strides = array<i32>} : memref<10240xf32, #tpu.memory_space<vmem>>, vector<16xf32>,
      %swap3A_53 = arith.constant 10224 : index
      %swap3A_54 = tpu.vector_load %arg6[%swap3A_53] {strides = array<i32>} : memref<10240xf32, #tpu.memory_space<vmem>>, vector<16xf32>,
      tpu.vector_store %arg6[%swap3A_53], %add3A_6 {strides = array<i32>} : memref<10240xf32, #tpu.memory_space<vmem>>, vector<16xf32>,
      %scan3A_55 = arith.constant 0 : i32
      %scan3A_56 = arith.constant 160 : i32
      %scan3A_57 = arith.addi %scan3A_55, %scan3A_56 : i32
      %scan3A_58 = arith.constant 1 : i32
      %scan3A_59:4 = scf.for %scan3A_136 = %scan3A_55 to %scan3A_57 step %scan3A_58 iter_args(%scan3A_137 = %add3A_6, %scan3A_138 = %add3A_6, %scan3A_139 = %add3A_6, %scan3A_140 = %add3A_6) -> (vector<16xf32>, vector<16xf32>, vector<16xf32>, vector<16xf32>)  : i32 {
        %mul3A_141 = arith.constant 64 : i32
        %mul3A_142 = arith.muli %scan3A_136, %mul3A_141 : i32
        %get3A = arith.index_cast %mul3A_142 : i32 to index
        %get3A_143 = tpu.vector_load %arg6[%get3A] {strides = array<i32>} : memref<10240xf32, #tpu.memory_space<vmem>>, vector<16xf32>,
        %max3A = arith.maximumf %scan3A_137, %get3A_143 : vector<16xf32>
        %add3A_144 = arith.constant 16 : i32
        %add3A_145 = arith.addi %mul3A_142, %add3A_144 : i32
        %get3A_146 = arith.index_cast %add3A_145 : i32 to index
        %get3A_147 = tpu.vector_load %arg6[%get3A_146] {strides = array<i32>} : memref<10240xf32, #tpu.memory_space<vmem>>, vector<16xf32>,
        %max3A_148 = arith.maximumf %scan3A_138, %get3A_147 : vector<16xf32>
        %add3A_149 = arith.constant 32 : i32
        %add3A_150 = arith.addi %mul3A_142, %add3A_149 : i32
        %get3A_151 = arith.index_cast %add3A_150 : i32 to index
        %get3A_152 = tpu.vector_load %arg6[%get3A_151] {strides = array<i32>} : memref<10240xf32, #tpu.memory_space<vmem>>, vector<16xf32>,
        %max3A_153 = arith.maximumf %scan3A_139, %get3A_152 : vector<16xf32>
        %add3A_154 = arith.constant 48 : i32
        %add3A_155 = arith.addi %mul3A_142, %add3A_154 : i32
        %get3A_156 = arith.index_cast %add3A_155 : i32 to index
        %get3A_157 = tpu.vector_load %arg6[%get3A_156] {strides = array<i32>} : memref<10240xf32, #tpu.memory_space<vmem>>, vector<16xf32>,
        %max3A_158 = arith.maximumf %scan3A_140, %get3A_157 : vector<16xf32>
        scf.yield %max3A, %max3A_148, %max3A_153, %max3A_158 : vector<16xf32>, vector<16xf32>, vector<16xf32>, vector<16xf32>
      }
      %scan3A_60 = arith.constant 160 : i32
      %scan3A_61 = arith.constant 0.000000e+00 : f32
      %scan3A_62 = arith.constant 0 : i32
      %scan3A_63 = arith.constant 33 : i32
      %scan3A_64 = arith.addi %scan3A_62, %scan3A_63 : i32
      %scan3A_65 = arith.constant 1 : i32
      %scan3A_66:5 = scf.for %scan3A_136 = %scan3A_62 to %scan3A_64 step %scan3A_65 iter_args(%scan3A_137 = %scan3A_59#0, %scan3A_138 = %scan3A_59#1, %scan3A_139 = %scan3A_59#2, %scan3A_140 = %scan3A_59#3, %scan3A_141 = %scan3A_61) -> (vector<16xf32>, vector<16xf32>, vector<16xf32>, vector<16xf32>, f32)  : i32 {
        %max3A = arith.maximumf %scan3A_137, %scan3A_138 : vector<16xf32>
        %max3A_142 = arith.maximumf %scan3A_139, %scan3A_140 : vector<16xf32>
        %max3A_143 = arith.maximumf %max3A, %max3A_142 : vector<16xf32>
        %reduce_max3A = arith.constant true
        %reduce_max3A_144 = vector.broadcast %reduce_max3A : i1 to vector<16xi1>
        %reduce_max3A_145 = tpu.scan <max>, %max3A_143 masked %reduce_max3A_144 : vector<16xf32>, vector<16xi1> -> vector<16xf32>
        %reduce_max3A_146 = vector.extract %reduce_max3A_145[15] : f32 from vector<16xf32>
        %eq3A_147 = vector.broadcast %reduce_max3A_146 : f32 to vector<16xf32>
        %eq3A_148 = arith.cmpf oeq, %scan3A_137, %eq3A_147 : vector<16xf32>
        %select_n3A_149 = arith.select %eq3A_148, %add3A_6, %scan3A_137 : vector<16xi1>, vector<16xf32>
        %eq3A_150 = vector.broadcast %reduce_max3A_146 : f32 to vector<16xf32>
        %eq3A_151 = arith.cmpf oeq, %scan3A_138, %eq3A_150 : vector<16xf32>
        %select_n3A_152 = arith.select %eq3A_151, %add3A_6, %scan3A_138 : vector<16xi1>, vector<16xf32>
        %eq3A_153 = vector.broadcast %reduce_max3A_146 : f32 to vector<16xf32>
        %eq3A_154 = arith.cmpf oeq, %scan3A_139, %eq3A_153 : vector<16xf32>
        %select_n3A_155 = arith.select %eq3A_154, %add3A_6, %scan3A_139 : vector<16xi1>, vector<16xf32>
        %eq3A_156 = vector.broadcast %reduce_max3A_146 : f32 to vector<16xf32>
        %eq3A_157 = arith.cmpf oeq, %scan3A_140, %eq3A_156 : vector<16xf32>
        %select_n3A_158 = arith.select %eq3A_157, %add3A_6, %scan3A_140 : vector<16xi1>, vector<16xf32>
        scf.yield %select_n3A_149, %select_n3A_152, %select_n3A_155, %select_n3A_158, %reduce_max3A_146 : vector<16xf32>, vector<16xf32>, vector<16xf32>, vector<16xf32>, f32
      }
      %scan3A_67 = arith.constant 33 : i32
      %swap3A_68 = arith.constant 0 : index
      %swap3A_69 = tpu.vector_load %arg7[%swap3A_68] {strides = array<i32>} : memref<10240xf32, #tpu.memory_space<vmem>>, vector<16xf32>,
      tpu.vector_store %arg7[%swap3A_68], %add3A_6 {strides = array<i32>} : memref<10240xf32, #tpu.memory_space<vmem>>, vector<16xf32>,
      %swap3A_70 = arith.constant 16 : index
      %swap3A_71 = tpu.vector_load %arg7[%swap3A_70] {strides = array<i32>} : memref<10240xf32, #tpu.memory_space<vmem>>, vector<16xf32>,
      tpu.vector_store %arg7[%swap3A_70], %add3A_6 {strides = array<i32>} : memref<10240xf32, #tpu.memory_space<vmem>>, vector<16xf32>,
      %swap3A_72 = arith.constant 32 : index
      %swap3A_73 = tpu.vector_load %arg7[%swap3A_72] {strides = array<i32>} : memref<10240xf32, #tpu.memory_space<vmem>>, vector<16xf32>,
      tpu.vector_store %arg7[%swap3A_72], %add3A_6 {strides = array<i32>} : memref<10240xf32, #tpu.memory_space<vmem>>, vector<16xf32>,
      %swap3A_74 = arith.constant 48 : index
      %swap3A_75 = tpu.vector_load %arg7[%swap3A_74] {strides = array<i32>} : memref<10240xf32, #tpu.memory_space<vmem>>, vector<16xf32>,
      tpu.vector_store %arg7[%swap3A_74], %add3A_6 {strides = array<i32>} : memref<10240xf32, #tpu.memory_space<vmem>>, vector<16xf32>,
      %swap3A_76 = arith.constant 64 : index
      %swap3A_77 = tpu.vector_load %arg7[%swap3A_76] {strides = array<i32>} : memref<10240xf32, #tpu.memory_space<vmem>>, vector<16xf32>,
      tpu.vector_store %arg7[%swap3A_76], %add3A_6 {strides = array<i32>} : memref<10240xf32, #tpu.memory_space<vmem>>, vector<16xf32>,
      %swap3A_78 = arith.constant 80 : index
      %swap3A_79 = tpu.vector_load %arg7[%swap3A_78] {strides = array<i32>} : memref<10240xf32, #tpu.memory_space<vmem>>, vector<16xf32>,
      tpu.vector_store %arg7[%swap3A_78], %add3A_6 {strides = array<i32>} : memref<10240xf32, #tpu.memory_space<vmem>>, vector<16xf32>,
      %swap3A_80 = arith.constant 96 : index
      %swap3A_81 = tpu.vector_load %arg7[%swap3A_80] {strides = array<i32>} : memref<10240xf32, #tpu.memory_space<vmem>>, vector<16xf32>,
      tpu.vector_store %arg7[%swap3A_80], %add3A_6 {strides = array<i32>} : memref<10240xf32, #tpu.memory_space<vmem>>, vector<16xf32>,
      %swap3A_82 = arith.constant 112 : index
      %swap3A_83 = tpu.vector_load %arg7[%swap3A_82] {strides = array<i32>} : memref<10240xf32, #tpu.memory_space<vmem>>, vector<16xf32>,
      tpu.vector_store %arg7[%swap3A_82], %add3A_6 {strides = array<i32>} : memref<10240xf32, #tpu.memory_space<vmem>>, vector<16xf32>,
      %swap3A_84 = arith.constant 128 : index
      %swap3A_85 = tpu.vector_load %arg7[%swap3A_84] {strides = array<i32>} : memref<10240xf32, #tpu.memory_space<vmem>>, vector<16xf32>,
      tpu.vector_store %arg7[%swap3A_84], %add3A_6 {strides = array<i32>} : memref<10240xf32, #tpu.memory_space<vmem>>, vector<16xf32>,
      %scan3A_86 = arith.constant 0 : i32
      %scan3A_87 = arith.constant 0 : i32
      %scan3A_88 = arith.constant 160 : i32
      %scan3A_89 = arith.addi %scan3A_87, %scan3A_88 : i32
      %scan3A_90 = arith.constant 1 : i32
      %scan3A_91 = scf.for %scan3A_136 = %scan3A_87 to %scan3A_89 step %scan3A_90 iter_args(%scan3A_137 = %scan3A_86) -> (i32)  : i32 {
        %mul3A_138 = arith.constant 64 : i32
        %mul3A_139 = arith.muli %scan3A_136, %mul3A_138 : i32
        %get3A = arith.index_cast %mul3A_139 : i32 to index
        %get3A_140 = tpu.vector_load %arg6[%get3A] {strides = array<i32>} : memref<10240xf32, #tpu.memory_space<vmem>>, vector<16xf32>,
        %add3A_141 = arith.constant 16 : i32
        %add3A_142 = arith.addi %mul3A_139, %add3A_141 : i32
        %get3A_143 = arith.index_cast %add3A_142 : i32 to index
        %get3A_144 = tpu.vector_load %arg6[%get3A_143] {strides = array<i32>} : memref<10240xf32, #tpu.memory_space<vmem>>, vector<16xf32>,
        %add3A_145 = arith.constant 32 : i32
        %add3A_146 = arith.addi %mul3A_139, %add3A_145 : i32
        %get3A_147 = arith.index_cast %add3A_146 : i32 to index
        %get3A_148 = tpu.vector_load %arg6[%get3A_147] {strides = array<i32>} : memref<10240xf32, #tpu.memory_space<vmem>>, vector<16xf32>,
        %add3A_149 = arith.constant 48 : i32
        %add3A_150 = arith.addi %mul3A_139, %add3A_149 : i32
        %get3A_151 = arith.index_cast %add3A_150 : i32 to index
        %get3A_152 = tpu.vector_load %arg6[%get3A_151] {strides = array<i32>} : memref<10240xf32, #tpu.memory_space<vmem>>, vector<16xf32>,
        %max3A = arith.maximumf %get3A_140, %get3A_144 : vector<16xf32>
        %max3A_153 = arith.maximumf %get3A_148, %get3A_152 : vector<16xf32>
        %max3A_154 = arith.maximumf %max3A, %max3A_153 : vector<16xf32>
        %reduce_max3A = arith.constant true
        %reduce_max3A_155 = vector.broadcast %reduce_max3A : i1 to vector<16xi1>
        %reduce_max3A_156 = tpu.scan <max>, %max3A_154 masked %reduce_max3A_155 : vector<16xf32>, vector<16xi1> -> vector<16xf32>
        %reduce_max3A_157 = vector.extract %reduce_max3A_156[15] : f32 from vector<16xf32>
        %ge3A = arith.cmpf oge, %reduce_max3A_157, %scan3A_66#4 : f32
        %convert_element_type3A_158 = arith.extui %ge3A : i1 to i32
        %cond3A_159 = arith.constant 0 : i32
        %cond3A_160 = arith.cmpi ne, %convert_element_type3A_158, %cond3A_159 : i32
        %cond3A_161 = scf.if %cond3A_160 -> (i32) {
          %add3A_162 = arith.constant 0 : i32
          %add3A_163 = arith.addi %mul3A_139, %add3A_162 : i32
          %get3A_164 = arith.index_cast %add3A_163 : i32 to index
          %get3A_165 = tpu.vector_load %arg6[%get3A_164] {strides = array<i32>} : memref<10240xf32, #tpu.memory_space<vmem>>, vector<16xf32>,
          %ge3A_166 = vector.broadcast %scan3A_66#4 : f32 to vector<16xf32>
          %ge3A_167 = arith.cmpf oge, %get3A_165, %ge3A_166 : vector<16xf32>
          %all_reduce_population_count3A = tpu.all_reduce %ge3A_167 {dim = 0 : i64, kind = #tpu.reduction_kind<sum>} : vector<16xi1> -> vector<16xi32>
          %reduce_max3A_168 = arith.constant true
          %reduce_max3A_169 = vector.broadcast %reduce_max3A_168 : i1 to vector<16xi1>
          %reduce_max3A_170 = arith.constant -2147483648 : i32
          %reduce_max3A_171 = vector.broadcast %reduce_max3A_170 : i32 to vector<16xi32>
          %reduce_max3A_172 = arith.xori %all_reduce_population_count3A, %reduce_max3A_171 : vector<16xi32>
          %reduce_max3A_173 = tpu.scan <max>, %reduce_max3A_172 masked %reduce_max3A_169 : vector<16xi32>, vector<16xi1> -> vector<16xi32>
          %reduce_max3A_174 = arith.xori %reduce_max3A_173, %reduce_max3A_171 : vector<16xi32>
          %reduce_max3A_175 = vector.extract %reduce_max3A_174[15] : i32 from vector<16xi32>
          %swap3A_176 = arith.index_cast %scan3A_137 : i32 to index
          %swap3A_177 = tpu.vector_load %arg7[%swap3A_176] masked %ge3A_167 {strides = array<i32>} : memref<10240xf32, #tpu.memory_space<vmem>>, vector<16xf32>, vector<16xi1>
          tpu.vector_store %arg7[%swap3A_176], %get3A_165 masked %ge3A_167 {strides = array<i32>} : memref<10240xf32, #tpu.memory_space<vmem>>, vector<16xf32>, vector<16xi1>
          %add3A_178 = arith.constant 0 : i32
          %add3A_179 = arith.addi %mul3A_139, %add3A_178 : i32
          %add3A_180 = vector.broadcast %add3A_179 : i32 to vector<16xi32>
          %add3A_181 = arith.addi %iota3A, %add3A_180 : vector<16xi32>
          %swap3A_182 = arith.index_cast %scan3A_137 : i32 to index
          %swap3A_183 = tpu.vector_load %arg8[%swap3A_182] masked %ge3A_167 {strides = array<i32>} : memref<10240xi32, #tpu.memory_space<vmem>>, vector<16xi32>, vector<16xi1>
          tpu.vector_store %arg8[%swap3A_182], %add3A_181 masked %ge3A_167 {strides = array<i32>} : memref<10240xi32, #tpu.memory_space<vmem>>, vector<16xi32>, vector<16xi1>
          %add3A_184 = arith.addi %scan3A_137, %reduce_max3A_175 : i32
          %add3A_185 = arith.constant 16 : i32
          %add3A_186 = arith.addi %mul3A_139, %add3A_185 : i32
          %get3A_187 = arith.index_cast %add3A_186 : i32 to index
          %get3A_188 = tpu.vector_load %arg6[%get3A_187] {strides = array<i32>} : memref<10240xf32, #tpu.memory_space<vmem>>, vector<16xf32>,
          %ge3A_189 = vector.broadcast %scan3A_66#4 : f32 to vector<16xf32>
          %ge3A_190 = arith.cmpf oge, %get3A_188, %ge3A_189 : vector<16xf32>
          %all_reduce_population_count3A_191 = tpu.all_reduce %ge3A_190 {dim = 0 : i64, kind = #tpu.reduction_kind<sum>} : vector<16xi1> -> vector<16xi32>
          %reduce_max3A_192 = arith.constant true
          %reduce_max3A_193 = vector.broadcast %reduce_max3A_192 : i1 to vector<16xi1>
          %reduce_max3A_194 = arith.constant -2147483648 : i32
          %reduce_max3A_195 = vector.broadcast %reduce_max3A_194 : i32 to vector<16xi32>
          %reduce_max3A_196 = arith.xori %all_reduce_population_count3A_191, %reduce_max3A_195 : vector<16xi32>
          %reduce_max3A_197 = tpu.scan <max>, %reduce_max3A_196 masked %reduce_max3A_193 : vector<16xi32>, vector<16xi1> -> vector<16xi32>
          %reduce_max3A_198 = arith.xori %reduce_max3A_197, %reduce_max3A_195 : vector<16xi32>
          %reduce_max3A_199 = vector.extract %reduce_max3A_198[15] : i32 from vector<16xi32>
          %swap3A_200 = arith.index_cast %add3A_184 : i32 to index
          %swap3A_201 = tpu.vector_load %arg7[%swap3A_200] masked %ge3A_190 {strides = array<i32>} : memref<10240xf32, #tpu.memory_space<vmem>>, vector<16xf32>, vector<16xi1>
          tpu.vector_store %arg7[%swap3A_200], %get3A_188 masked %ge3A_190 {strides = array<i32>} : memref<10240xf32, #tpu.memory_space<vmem>>, vector<16xf32>, vector<16xi1>
          %add3A_202 = arith.constant 16 : i32
          %add3A_203 = arith.addi %mul3A_139, %add3A_202 : i32
          %add3A_204 = vector.broadcast %add3A_203 : i32 to vector<16xi32>
          %add3A_205 = arith.addi %iota3A, %add3A_204 : vector<16xi32>
          %swap3A_206 = arith.index_cast %add3A_184 : i32 to index
          %swap3A_207 = tpu.vector_load %arg8[%swap3A_206] masked %ge3A_190 {strides = array<i32>} : memref<10240xi32, #tpu.memory_space<vmem>>, vector<16xi32>, vector<16xi1>
          tpu.vector_store %arg8[%swap3A_206], %add3A_205 masked %ge3A_190 {strides = array<i32>} : memref<10240xi32, #tpu.memory_space<vmem>>, vector<16xi32>, vector<16xi1>
          %add3A_208 = arith.addi %add3A_184, %reduce_max3A_199 : i32
          %add3A_209 = arith.constant 32 : i32
          %add3A_210 = arith.addi %mul3A_139, %add3A_209 : i32
          %get3A_211 = arith.index_cast %add3A_210 : i32 to index
          %get3A_212 = tpu.vector_load %arg6[%get3A_211] {strides = array<i32>} : memref<10240xf32, #tpu.memory_space<vmem>>, vector<16xf32>,
          %ge3A_213 = vector.broadcast %scan3A_66#4 : f32 to vector<16xf32>
          %ge3A_214 = arith.cmpf oge, %get3A_212, %ge3A_213 : vector<16xf32>
          %all_reduce_population_count3A_215 = tpu.all_reduce %ge3A_214 {dim = 0 : i64, kind = #tpu.reduction_kind<sum>} : vector<16xi1> -> vector<16xi32>
          %reduce_max3A_216 = arith.constant true
          %reduce_max3A_217 = vector.broadcast %reduce_max3A_216 : i1 to vector<16xi1>
          %reduce_max3A_218 = arith.constant -2147483648 : i32
          %reduce_max3A_219 = vector.broadcast %reduce_max3A_218 : i32 to vector<16xi32>
          %reduce_max3A_220 = arith.xori %all_reduce_population_count3A_215, %reduce_max3A_219 : vector<16xi32>
          %reduce_max3A_221 = tpu.scan <max>, %reduce_max3A_220 masked %reduce_max3A_217 : vector<16xi32>, vector<16xi1> -> vector<16xi32>
          %reduce_max3A_222 = arith.xori %reduce_max3A_221, %reduce_max3A_219 : vector<16xi32>
          %reduce_max3A_223 = vector.extract %reduce_max3A_222[15] : i32 from vector<16xi32>
          %swap3A_224 = arith.index_cast %add3A_208 : i32 to index
          %swap3A_225 = tpu.vector_load %arg7[%swap3A_224] masked %ge3A_214 {strides = array<i32>} : memref<10240xf32, #tpu.memory_space<vmem>>, vector<16xf32>, vector<16xi1>
          tpu.vector_store %arg7[%swap3A_224], %get3A_212 masked %ge3A_214 {strides = array<i32>} : memref<10240xf32, #tpu.memory_space<vmem>>, vector<16xf32>, vector<16xi1>
          %add3A_226 = arith.constant 32 : i32
          %add3A_227 = arith.addi %mul3A_139, %add3A_226 : i32
          %add3A_228 = vector.broadcast %add3A_227 : i32 to vector<16xi32>
          %add3A_229 = arith.addi %iota3A, %add3A_228 : vector<16xi32>
          %swap3A_230 = arith.index_cast %add3A_208 : i32 to index
          %swap3A_231 = tpu.vector_load %arg8[%swap3A_230] masked %ge3A_214 {strides = array<i32>} : memref<10240xi32, #tpu.memory_space<vmem>>, vector<16xi32>, vector<16xi1>
          tpu.vector_store %arg8[%swap3A_230], %add3A_229 masked %ge3A_214 {strides = array<i32>} : memref<10240xi32, #tpu.memory_space<vmem>>, vector<16xi32>, vector<16xi1>
          %add3A_232 = arith.addi %add3A_208, %reduce_max3A_223 : i32
          %add3A_233 = arith.constant 48 : i32
          %add3A_234 = arith.addi %mul3A_139, %add3A_233 : i32
          %get3A_235 = arith.index_cast %add3A_234 : i32 to index
          %get3A_236 = tpu.vector_load %arg6[%get3A_235] {strides = array<i32>} : memref<10240xf32, #tpu.memory_space<vmem>>, vector<16xf32>,
          %ge3A_237 = vector.broadcast %scan3A_66#4 : f32 to vector<16xf32>
          %ge3A_238 = arith.cmpf oge, %get3A_236, %ge3A_237 : vector<16xf32>
          %all_reduce_population_count3A_239 = tpu.all_reduce %ge3A_238 {dim = 0 : i64, kind = #tpu.reduction_kind<sum>} : vector<16xi1> -> vector<16xi32>
          %reduce_max3A_240 = arith.constant true
          %reduce_max3A_241 = vector.broadcast %reduce_max3A_240 : i1 to vector<16xi1>
          %reduce_max3A_242 = arith.constant -2147483648 : i32
          %reduce_max3A_243 = vector.broadcast %reduce_max3A_242 : i32 to vector<16xi32>
          %reduce_max3A_244 = arith.xori %all_reduce_population_count3A_239, %reduce_max3A_243 : vector<16xi32>
          %reduce_max3A_245 = tpu.scan <max>, %reduce_max3A_244 masked %reduce_max3A_241 : vector<16xi32>, vector<16xi1> -> vector<16xi32>
          %reduce_max3A_246 = arith.xori %reduce_max3A_245, %reduce_max3A_243 : vector<16xi32>
          %reduce_max3A_247 = vector.extract %reduce_max3A_246[15] : i32 from vector<16xi32>
          %swap3A_248 = arith.index_cast %add3A_232 : i32 to index
          %swap3A_249 = tpu.vector_load %arg7[%swap3A_248] masked %ge3A_238 {strides = array<i32>} : memref<10240xf32, #tpu.memory_space<vmem>>, vector<16xf32>, vector<16xi1>
          tpu.vector_store %arg7[%swap3A_248], %get3A_236 masked %ge3A_238 {strides = array<i32>} : memref<10240xf32, #tpu.memory_space<vmem>>, vector<16xf32>, vector<16xi1>
          %add3A_250 = arith.constant 48 : i32
          %add3A_251 = arith.addi %mul3A_139, %add3A_250 : i32
          %add3A_252 = vector.broadcast %add3A_251 : i32 to vector<16xi32>
          %add3A_253 = arith.addi %iota3A, %add3A_252 : vector<16xi32>
          %swap3A_254 = arith.index_cast %add3A_232 : i32 to index
          %swap3A_255 = tpu.vector_load %arg8[%swap3A_254] masked %ge3A_238 {strides = array<i32>} : memref<10240xi32, #tpu.memory_space<vmem>>, vector<16xi32>, vector<16xi1>
          tpu.vector_store %arg8[%swap3A_254], %add3A_253 masked %ge3A_238 {strides = array<i32>} : memref<10240xi32, #tpu.memory_space<vmem>>, vector<16xi32>, vector<16xi1>
          %add3A_256 = arith.addi %add3A_232, %reduce_max3A_247 : i32
          scf.yield %add3A_256 : i32
        } else {
          scf.yield %scan3A_137 : i32
        }
        scf.yield %cond3A_161 : i32
      }
      %scan3A_92 = arith.constant 160 : i32
      %swap3A_93 = arith.index_cast %scan3A_91 : i32 to index
      %swap3A_94 = tpu.vector_load %arg7[%swap3A_93] {strides = array<i32>} : memref<10240xf32, #tpu.memory_space<vmem>>, vector<16xf32>,
      tpu.vector_store %arg7[%swap3A_93], %add3A_6 {strides = array<i32>} : memref<10240xf32, #tpu.memory_space<vmem>>, vector<16xf32>,
      %add3A_95 = arith.constant 15 : i32
      %add3A_96 = arith.addi %scan3A_91, %add3A_95 : i32
      %jit3A = arith.constant 16 : i32
      %div3A = arith.divsi %add3A_96, %jit3A : i32
      %sign3A = arith.constant 0 : i32
      %sign3A_97 = arith.cmpi sgt, %add3A_96, %sign3A : i32
      %sign3A_98 = arith.extui %sign3A_97 : i1 to i32
      %sign3A_99 = arith.constant 0 : i32
      %sign3A_100 = arith.cmpi slt, %add3A_96, %sign3A_99 : i32
      %sign3A_101 = arith.extui %sign3A_100 : i1 to i32
      %sign3A_102 = arith.subi %sign3A_98, %sign3A_101 : i32
      %sign3A_103 = arith.constant 0 : i32
      %sign3A_104 = arith.cmpi sgt, %jit3A, %sign3A_103 : i32
      %sign3A_105 = arith.extui %sign3A_104 : i1 to i32
      %sign3A_106 = arith.constant 0 : i32
      %sign3A_107 = arith.cmpi slt, %jit3A, %sign3A_106 : i32
      %sign3A_108 = arith.extui %sign3A_107 : i1 to i32
      %sign3A_109 = arith.subi %sign3A_105, %sign3A_108 : i32
      %ne3A = arith.cmpi ne, %sign3A_102, %sign3A_109 : i32
      %rem3A = arith.remsi %add3A_96, %jit3A : i32
      %ne3A_110 = arith.constant 0 : i32
      %ne3A_111 = arith.cmpi ne, %rem3A, %ne3A_110 : i32
      %and3A = arith.andi %ne3A, %ne3A_111 : i1
      %sub3A = arith.constant 1 : i32
      %sub3A_112 = arith.subi %div3A, %sub3A : i32
      %select_n3A = arith.select %and3A, %sub3A_112, %div3A : i32
      %mul3A_113 = arith.constant 48 : i32
      %mul3A_114 = arith.muli %scan3A_24, %mul3A_113 : i32
      %broadcast_in_dim3A_115 = arith.constant 0.000000e+00 : f32
      %broadcast_in_dim3A_116 = vector.broadcast %broadcast_in_dim3A_115 : f32 to vector<16xf32>
      %add3A_117 = arith.constant 32 : i32
      %add3A_118 = arith.addi %mul3A_114, %add3A_117 : i32
      %swap3A_119 = arith.index_cast %add3A_118 : i32 to index
      %swap3A_120 = tpu.vector_load %arg10[%swap3A_119] {strides = array<i32>} : memref<15360xf32, #tpu.memory_space<vmem>>, vector<16xf32>,
      tpu.vector_store %arg10[%swap3A_119], %broadcast_in_dim3A_116 {strides = array<i32>} : memref<15360xf32, #tpu.memory_space<vmem>>, vector<16xf32>,
      %add3A_121 = arith.constant 10240 : i32
      %add3A_122 = vector.broadcast %add3A_121 : i32 to vector<16xi32>
      %add3A_123 = arith.addi %iota3A, %add3A_122 : vector<16xi32>
      %add3A_124 = arith.constant 32 : i32
      %add3A_125 = arith.addi %mul3A_114, %add3A_124 : i32
      %swap3A_126 = arith.index_cast %add3A_125 : i32 to index
      %swap3A_127 = tpu.vector_load %arg11[%swap3A_126] {strides = array<i32>} : memref<15360xi32, #tpu.memory_space<vmem>>, vector<16xi32>,
      tpu.vector_store %arg11[%swap3A_126], %add3A_123 {strides = array<i32>} : memref<15360xi32, #tpu.memory_space<vmem>>, vector<16xi32>,
      %le3A = arith.constant 8 : i32
      %le3A_128 = arith.cmpi sle, %select_n3A, %le3A : i32
      %convert_element_type3A = arith.extui %le3A_128 : i1 to i32
      %cond3A = arith.constant 0 : i32
      %cond3A_129 = arith.cmpi ne, %convert_element_type3A, %cond3A : i32
      %cond3A_130 = scf.if %cond3A_129 -> (f32) {
        %scan3A_136 = arith.constant 0.000000e+00 : f32
        %scan3A_137 = arith.constant 0 : i32
        %scan3A_138 = arith.constant 33 : i32
        %scan3A_139 = arith.addi %scan3A_137, %scan3A_138 : i32
        %scan3A_140 = arith.constant 1 : i32
        %scan3A_141 = scf.for %scan3A_143 = %scan3A_137 to %scan3A_139 step %scan3A_140 iter_args(%scan3A_144 = %scan3A_136) -> (f32)  : i32 {
          %get3A = arith.constant 0 : index
          %get3A_145 = tpu.vector_load %arg7[%get3A] {strides = array<i32>} : memref<10240xf32, #tpu.memory_space<vmem>>, vector<16xf32>,
          %max3A = arith.maximumf %add3A_6, %get3A_145 : vector<16xf32>
          %get3A_146 = arith.constant 16 : index
          %get3A_147 = tpu.vector_load %arg7[%get3A_146] {strides = array<i32>} : memref<10240xf32, #tpu.memory_space<vmem>>, vector<16xf32>,
          %max3A_148 = arith.maximumf %max3A, %get3A_147 : vector<16xf32>
          %get3A_149 = arith.constant 32 : index
          %get3A_150 = tpu.vector_load %arg7[%get3A_149] {strides = array<i32>} : memref<10240xf32, #tpu.memory_space<vmem>>, vector<16xf32>,
          %max3A_151 = arith.maximumf %max3A_148, %get3A_150 : vector<16xf32>
          %get3A_152 = arith.constant 48 : index
          %get3A_153 = tpu.vector_load %arg7[%get3A_152] {strides = array<i32>} : memref<10240xf32, #tpu.memory_space<vmem>>, vector<16xf32>,
          %max3A_154 = arith.maximumf %max3A_151, %get3A_153 : vector<16xf32>
          %get3A_155 = arith.constant 64 : index
          %get3A_156 = tpu.vector_load %arg7[%get3A_155] {strides = array<i32>} : memref<10240xf32, #tpu.memory_space<vmem>>, vector<16xf32>,
          %max3A_157 = arith.maximumf %max3A_154, %get3A_156 : vector<16xf32>
          %get3A_158 = arith.constant 80 : index
          %get3A_159 = tpu.vector_load %arg7[%get3A_158] {strides = array<i32>} : memref<10240xf32, #tpu.memory_space<vmem>>, vector<16xf32>,
          %max3A_160 = arith.maximumf %max3A_157, %get3A_159 : vector<16xf32>
          %get3A_161 = arith.constant 96 : index
          %get3A_162 = tpu.vector_load %arg7[%get3A_161] {strides = array<i32>} : memref<10240xf32, #tpu.memory_space<vmem>>, vector<16xf32>,
          %max3A_163 = arith.maximumf %max3A_160, %get3A_162 : vector<16xf32>
          %get3A_164 = arith.constant 112 : index
          %get3A_165 = tpu.vector_load %arg7[%get3A_164] {strides = array<i32>} : memref<10240xf32, #tpu.memory_space<vmem>>, vector<16xf32>,
          %max3A_166 = arith.maximumf %max3A_163, %get3A_165 : vector<16xf32>
          %reduce_max3A = arith.constant true
          %reduce_max3A_167 = vector.broadcast %reduce_max3A : i1 to vector<16xi1>
          %reduce_max3A_168 = tpu.scan <max>, %max3A_166 masked %reduce_max3A_167 : vector<16xf32>, vector<16xi1> -> vector<16xf32>
          %reduce_max3A_169 = vector.extract %reduce_max3A_168[15] : f32 from vector<16xf32>
          %get3A_170 = arith.constant 0 : index
          %get3A_171 = tpu.vector_load %arg7[%get3A_170] {strides = array<i32>} : memref<10240xf32, #tpu.memory_space<vmem>>, vector<16xf32>,
          %get3A_172 = arith.constant 0 : index
          %get3A_173 = tpu.vector_load %arg8[%get3A_172] {strides = array<i32>} : memref<10240xi32, #tpu.memory_space<vmem>>, vector<16xi32>,
          %eq3A_174 = vector.broadcast %reduce_max3A_169 : f32 to vector<16xf32>
          %eq3A_175 = arith.cmpf oeq, %get3A_171, %eq3A_174 : vector<16xf32>
          %jit3A_176 = arith.constant 1073741824 : i32
          %broadcast_in_dim3A_177 = vector.broadcast %jit3A_176 : i32 to vector<16xi32>
          %select_n3A_178 = arith.select %eq3A_175, %get3A_173, %broadcast_in_dim3A_177 : vector<16xi1>, vector<16xi32>
          %reduce_min3A = arith.constant true
          %reduce_min3A_179 = vector.broadcast %reduce_min3A : i1 to vector<16xi1>
          %reduce_min3A_180 = arith.constant -2147483648 : i32
          %reduce_min3A_181 = vector.broadcast %reduce_min3A_180 : i32 to vector<16xi32>
          %reduce_min3A_182 = arith.xori %select_n3A_178, %reduce_min3A_181 : vector<16xi32>
          %reduce_min3A_183 = tpu.scan <min>, %reduce_min3A_182 masked %reduce_min3A_179 : vector<16xi32>, vector<16xi1> -> vector<16xi32>
          %reduce_min3A_184 = arith.xori %reduce_min3A_183, %reduce_min3A_181 : vector<16xi32>
          %reduce_min3A_185 = vector.extract %reduce_min3A_184[15] : i32 from vector<16xi32>
          %min3A = arith.constant 1073741824 : i32
          %min3A_186 = arith.minsi %min3A, %reduce_min3A_185 : i32
          %get3A_187 = arith.constant 16 : index
          %get3A_188 = tpu.vector_load %arg7[%get3A_187] {strides = array<i32>} : memref<10240xf32, #tpu.memory_space<vmem>>, vector<16xf32>,
          %get3A_189 = arith.constant 16 : index
          %get3A_190 = tpu.vector_load %arg8[%get3A_189] {strides = array<i32>} : memref<10240xi32, #tpu.memory_space<vmem>>, vector<16xi32>,
          %eq3A_191 = vector.broadcast %reduce_max3A_169 : f32 to vector<16xf32>
          %eq3A_192 = arith.cmpf oeq, %get3A_188, %eq3A_191 : vector<16xf32>
          %jit3A_193 = arith.constant 1073741824 : i32
          %broadcast_in_dim3A_194 = vector.broadcast %jit3A_193 : i32 to vector<16xi32>
          %select_n3A_195 = arith.select %eq3A_192, %get3A_190, %broadcast_in_dim3A_194 : vector<16xi1>, vector<16xi32>
          %reduce_min3A_196 = arith.constant true
          %reduce_min3A_197 = vector.broadcast %reduce_min3A_196 : i1 to vector<16xi1>
          %reduce_min3A_198 = arith.constant -2147483648 : i32
          %reduce_min3A_199 = vector.broadcast %reduce_min3A_198 : i32 to vector<16xi32>
          %reduce_min3A_200 = arith.xori %select_n3A_195, %reduce_min3A_199 : vector<16xi32>
          %reduce_min3A_201 = tpu.scan <min>, %reduce_min3A_200 masked %reduce_min3A_197 : vector<16xi32>, vector<16xi1> -> vector<16xi32>
          %reduce_min3A_202 = arith.xori %reduce_min3A_201, %reduce_min3A_199 : vector<16xi32>
          %reduce_min3A_203 = vector.extract %reduce_min3A_202[15] : i32 from vector<16xi32>
          %min3A_204 = arith.minsi %min3A_186, %reduce_min3A_203 : i32
          %get3A_205 = arith.constant 32 : index
          %get3A_206 = tpu.vector_load %arg7[%get3A_205] {strides = array<i32>} : memref<10240xf32, #tpu.memory_space<vmem>>, vector<16xf32>,
          %get3A_207 = arith.constant 32 : index
          %get3A_208 = tpu.vector_load %arg8[%get3A_207] {strides = array<i32>} : memref<10240xi32, #tpu.memory_space<vmem>>, vector<16xi32>,
          %eq3A_209 = vector.broadcast %reduce_max3A_169 : f32 to vector<16xf32>
          %eq3A_210 = arith.cmpf oeq, %get3A_206, %eq3A_209 : vector<16xf32>
          %jit3A_211 = arith.constant 1073741824 : i32
          %broadcast_in_dim3A_212 = vector.broadcast %jit3A_211 : i32 to vector<16xi32>
          %select_n3A_213 = arith.select %eq3A_210, %get3A_208, %broadcast_in_dim3A_212 : vector<16xi1>, vector<16xi32>
          %reduce_min3A_214 = arith.constant true
          %reduce_min3A_215 = vector.broadcast %reduce_min3A_214 : i1 to vector<16xi1>
          %reduce_min3A_216 = arith.constant -2147483648 : i32
          %reduce_min3A_217 = vector.broadcast %reduce_min3A_216 : i32 to vector<16xi32>
          %reduce_min3A_218 = arith.xori %select_n3A_213, %reduce_min3A_217 : vector<16xi32>
          %reduce_min3A_219 = tpu.scan <min>, %reduce_min3A_218 masked %reduce_min3A_215 : vector<16xi32>, vector<16xi1> -> vector<16xi32>
          %reduce_min3A_220 = arith.xori %reduce_min3A_219, %reduce_min3A_217 : vector<16xi32>
          %reduce_min3A_221 = vector.extract %reduce_min3A_220[15] : i32 from vector<16xi32>
          %min3A_222 = arith.minsi %min3A_204, %reduce_min3A_221 : i32
          %get3A_223 = arith.constant 48 : index
          %get3A_224 = tpu.vector_load %arg7[%get3A_223] {strides = array<i32>} : memref<10240xf32, #tpu.memory_space<vmem>>, vector<16xf32>,
          %get3A_225 = arith.constant 48 : index
          %get3A_226 = tpu.vector_load %arg8[%get3A_225] {strides = array<i32>} : memref<10240xi32, #tpu.memory_space<vmem>>, vector<16xi32>,
          %eq3A_227 = vector.broadcast %reduce_max3A_169 : f32 to vector<16xf32>
          %eq3A_228 = arith.cmpf oeq, %get3A_224, %eq3A_227 : vector<16xf32>
          %jit3A_229 = arith.constant 1073741824 : i32
          %broadcast_in_dim3A_230 = vector.broadcast %jit3A_229 : i32 to vector<16xi32>
          %select_n3A_231 = arith.select %eq3A_228, %get3A_226, %broadcast_in_dim3A_230 : vector<16xi1>, vector<16xi32>
          %reduce_min3A_232 = arith.constant true
          %reduce_min3A_233 = vector.broadcast %reduce_min3A_232 : i1 to vector<16xi1>
          %reduce_min3A_234 = arith.constant -2147483648 : i32
          %reduce_min3A_235 = vector.broadcast %reduce_min3A_234 : i32 to vector<16xi32>
          %reduce_min3A_236 = arith.xori %select_n3A_231, %reduce_min3A_235 : vector<16xi32>
          %reduce_min3A_237 = tpu.scan <min>, %reduce_min3A_236 masked %reduce_min3A_233 : vector<16xi32>, vector<16xi1> -> vector<16xi32>
          %reduce_min3A_238 = arith.xori %reduce_min3A_237, %reduce_min3A_235 : vector<16xi32>
          %reduce_min3A_239 = vector.extract %reduce_min3A_238[15] : i32 from vector<16xi32>
          %min3A_240 = arith.minsi %min3A_222, %reduce_min3A_239 : i32
          %get3A_241 = arith.constant 64 : index
          %get3A_242 = tpu.vector_load %arg7[%get3A_241] {strides = array<i32>} : memref<10240xf32, #tpu.memory_space<vmem>>, vector<16xf32>,
          %get3A_243 = arith.constant 64 : index
          %get3A_244 = tpu.vector_load %arg8[%get3A_243] {strides = array<i32>} : memref<10240xi32, #tpu.memory_space<vmem>>, vector<16xi32>,
          %eq3A_245 = vector.broadcast %reduce_max3A_169 : f32 to vector<16xf32>
          %eq3A_246 = arith.cmpf oeq, %get3A_242, %eq3A_245 : vector<16xf32>
          %jit3A_247 = arith.constant 1073741824 : i32
          %broadcast_in_dim3A_248 = vector.broadcast %jit3A_247 : i32 to vector<16xi32>
          %select_n3A_249 = arith.select %eq3A_246, %get3A_244, %broadcast_in_dim3A_248 : vector<16xi1>, vector<16xi32>
          %reduce_min3A_250 = arith.constant true
          %reduce_min3A_251 = vector.broadcast %reduce_min3A_250 : i1 to vector<16xi1>
          %reduce_min3A_252 = arith.constant -2147483648 : i32
          %reduce_min3A_253 = vector.broadcast %reduce_min3A_252 : i32 to vector<16xi32>
          %reduce_min3A_254 = arith.xori %select_n3A_249, %reduce_min3A_253 : vector<16xi32>
          %reduce_min3A_255 = tpu.scan <min>, %reduce_min3A_254 masked %reduce_min3A_251 : vector<16xi32>, vector<16xi1> -> vector<16xi32>
          %reduce_min3A_256 = arith.xori %reduce_min3A_255, %reduce_min3A_253 : vector<16xi32>
          %reduce_min3A_257 = vector.extract %reduce_min3A_256[15] : i32 from vector<16xi32>
          %min3A_258 = arith.minsi %min3A_240, %reduce_min3A_257 : i32
          %get3A_259 = arith.constant 80 : index
          %get3A_260 = tpu.vector_load %arg7[%get3A_259] {strides = array<i32>} : memref<10240xf32, #tpu.memory_space<vmem>>, vector<16xf32>,
          %get3A_261 = arith.constant 80 : index
          %get3A_262 = tpu.vector_load %arg8[%get3A_261] {strides = array<i32>} : memref<10240xi32, #tpu.memory_space<vmem>>, vector<16xi32>,
          %eq3A_263 = vector.broadcast %reduce_max3A_169 : f32 to vector<16xf32>
          %eq3A_264 = arith.cmpf oeq, %get3A_260, %eq3A_263 : vector<16xf32>
          %jit3A_265 = arith.constant 1073741824 : i32
          %broadcast_in_dim3A_266 = vector.broadcast %jit3A_265 : i32 to vector<16xi32>
          %select_n3A_267 = arith.select %eq3A_264, %get3A_262, %broadcast_in_dim3A_266 : vector<16xi1>, vector<16xi32>
          %reduce_min3A_268 = arith.constant true
          %reduce_min3A_269 = vector.broadcast %reduce_min3A_268 : i1 to vector<16xi1>
          %reduce_min3A_270 = arith.constant -2147483648 : i32
          %reduce_min3A_271 = vector.broadcast %reduce_min3A_270 : i32 to vector<16xi32>
          %reduce_min3A_272 = arith.xori %select_n3A_267, %reduce_min3A_271 : vector<16xi32>
          %reduce_min3A_273 = tpu.scan <min>, %reduce_min3A_272 masked %reduce_min3A_269 : vector<16xi32>, vector<16xi1> -> vector<16xi32>
          %reduce_min3A_274 = arith.xori %reduce_min3A_273, %reduce_min3A_271 : vector<16xi32>
          %reduce_min3A_275 = vector.extract %reduce_min3A_274[15] : i32 from vector<16xi32>
          %min3A_276 = arith.minsi %min3A_258, %reduce_min3A_275 : i32
          %get3A_277 = arith.constant 96 : index
          %get3A_278 = tpu.vector_load %arg7[%get3A_277] {strides = array<i32>} : memref<10240xf32, #tpu.memory_space<vmem>>, vector<16xf32>,
          %get3A_279 = arith.constant 96 : index
          %get3A_280 = tpu.vector_load %arg8[%get3A_279] {strides = array<i32>} : memref<10240xi32, #tpu.memory_space<vmem>>, vector<16xi32>,
          %eq3A_281 = vector.broadcast %reduce_max3A_169 : f32 to vector<16xf32>
          %eq3A_282 = arith.cmpf oeq, %get3A_278, %eq3A_281 : vector<16xf32>
          %jit3A_283 = arith.constant 1073741824 : i32
          %broadcast_in_dim3A_284 = vector.broadcast %jit3A_283 : i32 to vector<16xi32>
          %select_n3A_285 = arith.select %eq3A_282, %get3A_280, %broadcast_in_dim3A_284 : vector<16xi1>, vector<16xi32>
          %reduce_min3A_286 = arith.constant true
          %reduce_min3A_287 = vector.broadcast %reduce_min3A_286 : i1 to vector<16xi1>
          %reduce_min3A_288 = arith.constant -2147483648 : i32
          %reduce_min3A_289 = vector.broadcast %reduce_min3A_288 : i32 to vector<16xi32>
          %reduce_min3A_290 = arith.xori %select_n3A_285, %reduce_min3A_289 : vector<16xi32>
          %reduce_min3A_291 = tpu.scan <min>, %reduce_min3A_290 masked %reduce_min3A_287 : vector<16xi32>, vector<16xi1> -> vector<16xi32>
          %reduce_min3A_292 = arith.xori %reduce_min3A_291, %reduce_min3A_289 : vector<16xi32>
          %reduce_min3A_293 = vector.extract %reduce_min3A_292[15] : i32 from vector<16xi32>
          %min3A_294 = arith.minsi %min3A_276, %reduce_min3A_293 : i32
          %get3A_295 = arith.constant 112 : index
          %get3A_296 = tpu.vector_load %arg7[%get3A_295] {strides = array<i32>} : memref<10240xf32, #tpu.memory_space<vmem>>, vector<16xf32>,
          %get3A_297 = arith.constant 112 : index
          %get3A_298 = tpu.vector_load %arg8[%get3A_297] {strides = array<i32>} : memref<10240xi32, #tpu.memory_space<vmem>>, vector<16xi32>,
          %eq3A_299 = vector.broadcast %reduce_max3A_169 : f32 to vector<16xf32>
          %eq3A_300 = arith.cmpf oeq, %get3A_296, %eq3A_299 : vector<16xf32>
          %jit3A_301 = arith.constant 1073741824 : i32
          %broadcast_in_dim3A_302 = vector.broadcast %jit3A_301 : i32 to vector<16xi32>
          %select_n3A_303 = arith.select %eq3A_300, %get3A_298, %broadcast_in_dim3A_302 : vector<16xi1>, vector<16xi32>
          %reduce_min3A_304 = arith.constant true
          %reduce_min3A_305 = vector.broadcast %reduce_min3A_304 : i1 to vector<16xi1>
          %reduce_min3A_306 = arith.constant -2147483648 : i32
          %reduce_min3A_307 = vector.broadcast %reduce_min3A_306 : i32 to vector<16xi32>
          %reduce_min3A_308 = arith.xori %select_n3A_303, %reduce_min3A_307 : vector<16xi32>
          %reduce_min3A_309 = tpu.scan <min>, %reduce_min3A_308 masked %reduce_min3A_305 : vector<16xi32>, vector<16xi1> -> vector<16xi32>
          %reduce_min3A_310 = arith.xori %reduce_min3A_309, %reduce_min3A_307 : vector<16xi32>
          %reduce_min3A_311 = vector.extract %reduce_min3A_310[15] : i32 from vector<16xi32>
          %min3A_312 = arith.minsi %min3A_294, %reduce_min3A_311 : i32
          %get3A_313 = arith.constant 0 : index
          %get3A_314 = tpu.vector_load %arg7[%get3A_313] {strides = array<i32>} : memref<10240xf32, #tpu.memory_space<vmem>>, vector<16xf32>,
          %get3A_315 = arith.constant 0 : index
          %get3A_316 = tpu.vector_load %arg8[%get3A_315] {strides = array<i32>} : memref<10240xi32, #tpu.memory_space<vmem>>, vector<16xi32>,
          %eq3A_317 = vector.broadcast %min3A_312 : i32 to vector<16xi32>
          %eq3A_318 = arith.cmpi eq, %get3A_316, %eq3A_317 : vector<16xi32>
          %select_n3A_319 = arith.select %eq3A_318, %add3A_6, %get3A_314 : vector<16xi1>, vector<16xf32>
          %swap3A_320 = arith.constant 0 : index
          %swap3A_321 = tpu.vector_load %arg7[%swap3A_320] {strides = array<i32>} : memref<10240xf32, #tpu.memory_space<vmem>>, vector<16xf32>,
          tpu.vector_store %arg7[%swap3A_320], %select_n3A_319 {strides = array<i32>} : memref<10240xf32, #tpu.memory_space<vmem>>, vector<16xf32>,
          %get3A_322 = arith.constant 16 : index
          %get3A_323 = tpu.vector_load %arg7[%get3A_322] {strides = array<i32>} : memref<10240xf32, #tpu.memory_space<vmem>>, vector<16xf32>,
          %get3A_324 = arith.constant 16 : index
          %get3A_325 = tpu.vector_load %arg8[%get3A_324] {strides = array<i32>} : memref<10240xi32, #tpu.memory_space<vmem>>, vector<16xi32>,
          %eq3A_326 = vector.broadcast %min3A_312 : i32 to vector<16xi32>
          %eq3A_327 = arith.cmpi eq, %get3A_325, %eq3A_326 : vector<16xi32>
          %select_n3A_328 = arith.select %eq3A_327, %add3A_6, %get3A_323 : vector<16xi1>, vector<16xf32>
          %swap3A_329 = arith.constant 16 : index
          %swap3A_330 = tpu.vector_load %arg7[%swap3A_329] {strides = array<i32>} : memref<10240xf32, #tpu.memory_space<vmem>>, vector<16xf32>,
          tpu.vector_store %arg7[%swap3A_329], %select_n3A_328 {strides = array<i32>} : memref<10240xf32, #tpu.memory_space<vmem>>, vector<16xf32>,
          %get3A_331 = arith.constant 32 : index
          %get3A_332 = tpu.vector_load %arg7[%get3A_331] {strides = array<i32>} : memref<10240xf32, #tpu.memory_space<vmem>>, vector<16xf32>,
          %get3A_333 = arith.constant 32 : index
          %get3A_334 = tpu.vector_load %arg8[%get3A_333] {strides = array<i32>} : memref<10240xi32, #tpu.memory_space<vmem>>, vector<16xi32>,
          %eq3A_335 = vector.broadcast %min3A_312 : i32 to vector<16xi32>
          %eq3A_336 = arith.cmpi eq, %get3A_334, %eq3A_335 : vector<16xi32>
          %select_n3A_337 = arith.select %eq3A_336, %add3A_6, %get3A_332 : vector<16xi1>, vector<16xf32>
          %swap3A_338 = arith.constant 32 : index
          %swap3A_339 = tpu.vector_load %arg7[%swap3A_338] {strides = array<i32>} : memref<10240xf32, #tpu.memory_space<vmem>>, vector<16xf32>,
          tpu.vector_store %arg7[%swap3A_338], %select_n3A_337 {strides = array<i32>} : memref<10240xf32, #tpu.memory_space<vmem>>, vector<16xf32>,
          %get3A_340 = arith.constant 48 : index
          %get3A_341 = tpu.vector_load %arg7[%get3A_340] {strides = array<i32>} : memref<10240xf32, #tpu.memory_space<vmem>>, vector<16xf32>,
          %get3A_342 = arith.constant 48 : index
          %get3A_343 = tpu.vector_load %arg8[%get3A_342] {strides = array<i32>} : memref<10240xi32, #tpu.memory_space<vmem>>, vector<16xi32>,
          %eq3A_344 = vector.broadcast %min3A_312 : i32 to vector<16xi32>
          %eq3A_345 = arith.cmpi eq, %get3A_343, %eq3A_344 : vector<16xi32>
          %select_n3A_346 = arith.select %eq3A_345, %add3A_6, %get3A_341 : vector<16xi1>, vector<16xf32>
          %swap3A_347 = arith.constant 48 : index
          %swap3A_348 = tpu.vector_load %arg7[%swap3A_347] {strides = array<i32>} : memref<10240xf32, #tpu.memory_space<vmem>>, vector<16xf32>,
          tpu.vector_store %arg7[%swap3A_347], %select_n3A_346 {strides = array<i32>} : memref<10240xf32, #tpu.memory_space<vmem>>, vector<16xf32>,
          %get3A_349 = arith.constant 64 : index
          %get3A_350 = tpu.vector_load %arg7[%get3A_349] {strides = array<i32>} : memref<10240xf32, #tpu.memory_space<vmem>>, vector<16xf32>,
          %get3A_351 = arith.constant 64 : index
          %get3A_352 = tpu.vector_load %arg8[%get3A_351] {strides = array<i32>} : memref<10240xi32, #tpu.memory_space<vmem>>, vector<16xi32>,
          %eq3A_353 = vector.broadcast %min3A_312 : i32 to vector<16xi32>
          %eq3A_354 = arith.cmpi eq, %get3A_352, %eq3A_353 : vector<16xi32>
          %select_n3A_355 = arith.select %eq3A_354, %add3A_6, %get3A_350 : vector<16xi1>, vector<16xf32>
          %swap3A_356 = arith.constant 64 : index
          %swap3A_357 = tpu.vector_load %arg7[%swap3A_356] {strides = array<i32>} : memref<10240xf32, #tpu.memory_space<vmem>>, vector<16xf32>,
          tpu.vector_store %arg7[%swap3A_356], %select_n3A_355 {strides = array<i32>} : memref<10240xf32, #tpu.memory_space<vmem>>, vector<16xf32>,
          %get3A_358 = arith.constant 80 : index
          %get3A_359 = tpu.vector_load %arg7[%get3A_358] {strides = array<i32>} : memref<10240xf32, #tpu.memory_space<vmem>>, vector<16xf32>,
          %get3A_360 = arith.constant 80 : index
          %get3A_361 = tpu.vector_load %arg8[%get3A_360] {strides = array<i32>} : memref<10240xi32, #tpu.memory_space<vmem>>, vector<16xi32>,
          %eq3A_362 = vector.broadcast %min3A_312 : i32 to vector<16xi32>
          %eq3A_363 = arith.cmpi eq, %get3A_361, %eq3A_362 : vector<16xi32>
          %select_n3A_364 = arith.select %eq3A_363, %add3A_6, %get3A_359 : vector<16xi1>, vector<16xf32>
          %swap3A_365 = arith.constant 80 : index
          %swap3A_366 = tpu.vector_load %arg7[%swap3A_365] {strides = array<i32>} : memref<10240xf32, #tpu.memory_space<vmem>>, vector<16xf32>,
          tpu.vector_store %arg7[%swap3A_365], %select_n3A_364 {strides = array<i32>} : memref<10240xf32, #tpu.memory_space<vmem>>, vector<16xf32>,
          %get3A_367 = arith.constant 96 : index
          %get3A_368 = tpu.vector_load %arg7[%get3A_367] {strides = array<i32>} : memref<10240xf32, #tpu.memory_space<vmem>>, vector<16xf32>,
          %get3A_369 = arith.constant 96 : index
          %get3A_370 = tpu.vector_load %arg8[%get3A_369] {strides = array<i32>} : memref<10240xi32, #tpu.memory_space<vmem>>, vector<16xi32>,
          %eq3A_371 = vector.broadcast %min3A_312 : i32 to vector<16xi32>
          %eq3A_372 = arith.cmpi eq, %get3A_370, %eq3A_371 : vector<16xi32>
          %select_n3A_373 = arith.select %eq3A_372, %add3A_6, %get3A_368 : vector<16xi1>, vector<16xf32>
          %swap3A_374 = arith.constant 96 : index
          %swap3A_375 = tpu.vector_load %arg7[%swap3A_374] {strides = array<i32>} : memref<10240xf32, #tpu.memory_space<vmem>>, vector<16xf32>,
          tpu.vector_store %arg7[%swap3A_374], %select_n3A_373 {strides = array<i32>} : memref<10240xf32, #tpu.memory_space<vmem>>, vector<16xf32>,
          %get3A_376 = arith.constant 112 : index
          %get3A_377 = tpu.vector_load %arg7[%get3A_376] {strides = array<i32>} : memref<10240xf32, #tpu.memory_space<vmem>>, vector<16xf32>,
          %get3A_378 = arith.constant 112 : index
          %get3A_379 = tpu.vector_load %arg8[%get3A_378] {strides = array<i32>} : memref<10240xi32, #tpu.memory_space<vmem>>, vector<16xi32>,
          %eq3A_380 = vector.broadcast %min3A_312 : i32 to vector<16xi32>
          %eq3A_381 = arith.cmpi eq, %get3A_379, %eq3A_380 : vector<16xi32>
          %select_n3A_382 = arith.select %eq3A_381, %add3A_6, %get3A_377 : vector<16xi1>, vector<16xf32>
          %swap3A_383 = arith.constant 112 : index
          %swap3A_384 = tpu.vector_load %arg7[%swap3A_383] {strides = array<i32>} : memref<10240xf32, #tpu.memory_space<vmem>>, vector<16xf32>,
          tpu.vector_store %arg7[%swap3A_383], %select_n3A_382 {strides = array<i32>} : memref<10240xf32, #tpu.memory_space<vmem>>, vector<16xf32>,
          %broadcast_in_dim3A_385 = arith.constant 0.000000e+00 : f32
          %broadcast_in_dim3A_386 = vector.broadcast %broadcast_in_dim3A_385 : f32 to vector<16xf32>
          %add3A_387 = vector.broadcast %reduce_max3A_169 : f32 to vector<16xf32>
          %add3A_388 = arith.addf %broadcast_in_dim3A_386, %add3A_387 : vector<16xf32>
          %broadcast_in_dim3A_389 = arith.constant 0 : i32
          %broadcast_in_dim3A_390 = vector.broadcast %broadcast_in_dim3A_389 : i32 to vector<16xi32>
          %add3A_391 = vector.broadcast %min3A_312 : i32 to vector<16xi32>
          %add3A_392 = arith.addi %broadcast_in_dim3A_390, %add3A_391 : vector<16xi32>
          %add3A_393 = arith.addi %mul3A_114, %scan3A_143 : i32
          %swap3A_394 = arith.index_cast %add3A_393 : i32 to index
          %swap3A_395 = tpu.vector_load %arg10[%swap3A_394] masked %eq3A_8 {strides = array<i32>} : memref<15360xf32, #tpu.memory_space<vmem>>, vector<16xf32>, vector<16xi1>
          tpu.vector_store %arg10[%swap3A_394], %add3A_388 masked %eq3A_8 {strides = array<i32>} : memref<15360xf32, #tpu.memory_space<vmem>>, vector<16xf32>, vector<16xi1>
          %add3A_396 = arith.addi %mul3A_114, %scan3A_143 : i32
          %swap3A_397 = arith.index_cast %add3A_396 : i32 to index
          %swap3A_398 = tpu.vector_load %arg11[%swap3A_397] masked %eq3A_8 {strides = array<i32>} : memref<15360xi32, #tpu.memory_space<vmem>>, vector<16xi32>, vector<16xi1>
          tpu.vector_store %arg11[%swap3A_397], %add3A_392 masked %eq3A_8 {strides = array<i32>} : memref<15360xi32, #tpu.memory_space<vmem>>, vector<16xi32>, vector<16xi1>
          %add3A_399 = arith.addf %scan3A_144, %reduce_max3A_169 : f32
          scf.yield %add3A_399 : f32
        }
        %scan3A_142 = arith.constant 33 : i32
        scf.yield %scan3A_141 : f32
      } else {
        %scan3A_136 = arith.constant 0.000000e+00 : f32
        %scan3A_137 = arith.constant 0 : i32
        %scan3A_138 = arith.constant 33 : i32
        %scan3A_139 = arith.addi %scan3A_137, %scan3A_138 : i32
        %scan3A_140 = arith.constant 1 : i32
        %scan3A_141 = scf.for %scan3A_143 = %scan3A_137 to %scan3A_139 step %scan3A_140 iter_args(%scan3A_144 = %scan3A_136) -> (f32)  : i32 {
          %get3A = arith.constant 0 : index
          %get3A_145 = tpu.vector_load %arg7[%get3A] {strides = array<i32>} : memref<10240xf32, #tpu.memory_space<vmem>>, vector<16xf32>,
          %max3A = arith.maximumf %add3A_6, %get3A_145 : vector<16xf32>
          %get3A_146 = arith.constant 16 : index
          %get3A_147 = tpu.vector_load %arg7[%get3A_146] {strides = array<i32>} : memref<10240xf32, #tpu.memory_space<vmem>>, vector<16xf32>,
          %max3A_148 = arith.maximumf %max3A, %get3A_147 : vector<16xf32>
          %get3A_149 = arith.constant 32 : index
          %get3A_150 = tpu.vector_load %arg7[%get3A_149] {strides = array<i32>} : memref<10240xf32, #tpu.memory_space<vmem>>, vector<16xf32>,
          %max3A_151 = arith.maximumf %max3A_148, %get3A_150 : vector<16xf32>
          %get3A_152 = arith.constant 48 : index
          %get3A_153 = tpu.vector_load %arg7[%get3A_152] {strides = array<i32>} : memref<10240xf32, #tpu.memory_space<vmem>>, vector<16xf32>,
          %max3A_154 = arith.maximumf %max3A_151, %get3A_153 : vector<16xf32>
          %get3A_155 = arith.constant 64 : index
          %get3A_156 = tpu.vector_load %arg7[%get3A_155] {strides = array<i32>} : memref<10240xf32, #tpu.memory_space<vmem>>, vector<16xf32>,
          %max3A_157 = arith.maximumf %max3A_154, %get3A_156 : vector<16xf32>
          %get3A_158 = arith.constant 80 : index
          %get3A_159 = tpu.vector_load %arg7[%get3A_158] {strides = array<i32>} : memref<10240xf32, #tpu.memory_space<vmem>>, vector<16xf32>,
          %max3A_160 = arith.maximumf %max3A_157, %get3A_159 : vector<16xf32>
          %get3A_161 = arith.constant 96 : index
          %get3A_162 = tpu.vector_load %arg7[%get3A_161] {strides = array<i32>} : memref<10240xf32, #tpu.memory_space<vmem>>, vector<16xf32>,
          %max3A_163 = arith.maximumf %max3A_160, %get3A_162 : vector<16xf32>
          %get3A_164 = arith.constant 112 : index
          %get3A_165 = tpu.vector_load %arg7[%get3A_164] {strides = array<i32>} : memref<10240xf32, #tpu.memory_space<vmem>>, vector<16xf32>,
          %max3A_166 = arith.maximumf %max3A_163, %get3A_165 : vector<16xf32>
          %while3A = arith.constant 8 : i32
          %while3A_167 = arith.subi %select_n3A, %while3A : i32
          %while3A_168 = arith.addi %while3A, %while3A_167 : i32
          %while3A_169 = arith.constant 1 : i32
          %while3A_170 = arith.divsi %while3A_167, %while3A_169 : i32
          %while3A_171 = arith.muli %while3A_170, %while3A_169 : i32
          %while3A_172 = arith.addi %while3A, %while3A_171 : i32
          %while3A_173 = arith.constant 1 : i32
          %while3A_174 = scf.for %while3A_431 = %while3A to %while3A_172 step %while3A_173 iter_args(%while3A_432 = %max3A_166) -> (vector<16xf32>)  : i32 {
            %mul3A_433 = arith.constant 16 : i32
            %mul3A_434 = arith.muli %while3A_431, %mul3A_433 : i32
            %get3A_435 = arith.index_cast %mul3A_434 : i32 to index
            %get3A_436 = tpu.vector_load %arg7[%get3A_435] {strides = array<i32>} : memref<10240xf32, #tpu.memory_space<vmem>>, vector<16xf32>,
            %max3A_437 = arith.maximumf %while3A_432, %get3A_436 : vector<16xf32>
            scf.yield %max3A_437 : vector<16xf32>
          }
          %while3A_175 = arith.constant 1 : i32
          %while3A_176 = scf.for %while3A_431 = %while3A_172 to %while3A_168 step %while3A_175 iter_args(%while3A_432 = %while3A_174) -> (vector<16xf32>)  : i32 {
            %mul3A_433 = arith.constant 16 : i32
            %mul3A_434 = arith.muli %while3A_431, %mul3A_433 : i32
            %get3A_435 = arith.index_cast %mul3A_434 : i32 to index
            %get3A_436 = tpu.vector_load %arg7[%get3A_435] {strides = array<i32>} : memref<10240xf32, #tpu.memory_space<vmem>>, vector<16xf32>,
            %max3A_437 = arith.maximumf %while3A_432, %get3A_436 : vector<16xf32>
            scf.yield %max3A_437 : vector<16xf32>
          }
          %reduce_max3A = arith.constant true
          %reduce_max3A_177 = vector.broadcast %reduce_max3A : i1 to vector<16xi1>
          %reduce_max3A_178 = tpu.scan <max>, %while3A_176 masked %reduce_max3A_177 : vector<16xf32>, vector<16xi1> -> vector<16xf32>
          %reduce_max3A_179 = vector.extract %reduce_max3A_178[15] : f32 from vector<16xf32>
          %get3A_180 = arith.constant 0 : index
          %get3A_181 = tpu.vector_load %arg7[%get3A_180] {strides = array<i32>} : memref<10240xf32, #tpu.memory_space<vmem>>, vector<16xf32>,
          %get3A_182 = arith.constant 0 : index
          %get3A_183 = tpu.vector_load %arg8[%get3A_182] {strides = array<i32>} : memref<10240xi32, #tpu.memory_space<vmem>>, vector<16xi32>,
          %eq3A_184 = vector.broadcast %reduce_max3A_179 : f32 to vector<16xf32>
          %eq3A_185 = arith.cmpf oeq, %get3A_181, %eq3A_184 : vector<16xf32>
          %jit3A_186 = arith.constant 1073741824 : i32
          %broadcast_in_dim3A_187 = vector.broadcast %jit3A_186 : i32 to vector<16xi32>
          %select_n3A_188 = arith.select %eq3A_185, %get3A_183, %broadcast_in_dim3A_187 : vector<16xi1>, vector<16xi32>
          %reduce_min3A = arith.constant true
          %reduce_min3A_189 = vector.broadcast %reduce_min3A : i1 to vector<16xi1>
          %reduce_min3A_190 = arith.constant -2147483648 : i32
          %reduce_min3A_191 = vector.broadcast %reduce_min3A_190 : i32 to vector<16xi32>
          %reduce_min3A_192 = arith.xori %select_n3A_188, %reduce_min3A_191 : vector<16xi32>
          %reduce_min3A_193 = tpu.scan <min>, %reduce_min3A_192 masked %reduce_min3A_189 : vector<16xi32>, vector<16xi1> -> vector<16xi32>
          %reduce_min3A_194 = arith.xori %reduce_min3A_193, %reduce_min3A_191 : vector<16xi32>
          %reduce_min3A_195 = vector.extract %reduce_min3A_194[15] : i32 from vector<16xi32>
          %min3A = arith.constant 1073741824 : i32
          %min3A_196 = arith.minsi %min3A, %reduce_min3A_195 : i32
          %get3A_197 = arith.constant 16 : index
          %get3A_198 = tpu.vector_load %arg7[%get3A_197] {strides = array<i32>} : memref<10240xf32, #tpu.memory_space<vmem>>, vector<16xf32>,
          %get3A_199 = arith.constant 16 : index
          %get3A_200 = tpu.vector_load %arg8[%get3A_199] {strides = array<i32>} : memref<10240xi32, #tpu.memory_space<vmem>>, vector<16xi32>,
          %eq3A_201 = vector.broadcast %reduce_max3A_179 : f32 to vector<16xf32>
          %eq3A_202 = arith.cmpf oeq, %get3A_198, %eq3A_201 : vector<16xf32>
          %jit3A_203 = arith.constant 1073741824 : i32
          %broadcast_in_dim3A_204 = vector.broadcast %jit3A_203 : i32 to vector<16xi32>
          %select_n3A_205 = arith.select %eq3A_202, %get3A_200, %broadcast_in_dim3A_204 : vector<16xi1>, vector<16xi32>
          %reduce_min3A_206 = arith.constant true
          %reduce_min3A_207 = vector.broadcast %reduce_min3A_206 : i1 to vector<16xi1>
          %reduce_min3A_208 = arith.constant -2147483648 : i32
          %reduce_min3A_209 = vector.broadcast %reduce_min3A_208 : i32 to vector<16xi32>
          %reduce_min3A_210 = arith.xori %select_n3A_205, %reduce_min3A_209 : vector<16xi32>
          %reduce_min3A_211 = tpu.scan <min>, %reduce_min3A_210 masked %reduce_min3A_207 : vector<16xi32>, vector<16xi1> -> vector<16xi32>
          %reduce_min3A_212 = arith.xori %reduce_min3A_211, %reduce_min3A_209 : vector<16xi32>
          %reduce_min3A_213 = vector.extract %reduce_min3A_212[15] : i32 from vector<16xi32>
          %min3A_214 = arith.minsi %min3A_196, %reduce_min3A_213 : i32
          %get3A_215 = arith.constant 32 : index
          %get3A_216 = tpu.vector_load %arg7[%get3A_215] {strides = array<i32>} : memref<10240xf32, #tpu.memory_space<vmem>>, vector<16xf32>,
          %get3A_217 = arith.constant 32 : index
          %get3A_218 = tpu.vector_load %arg8[%get3A_217] {strides = array<i32>} : memref<10240xi32, #tpu.memory_space<vmem>>, vector<16xi32>,
          %eq3A_219 = vector.broadcast %reduce_max3A_179 : f32 to vector<16xf32>
          %eq3A_220 = arith.cmpf oeq, %get3A_216, %eq3A_219 : vector<16xf32>
          %jit3A_221 = arith.constant 1073741824 : i32
          %broadcast_in_dim3A_222 = vector.broadcast %jit3A_221 : i32 to vector<16xi32>
          %select_n3A_223 = arith.select %eq3A_220, %get3A_218, %broadcast_in_dim3A_222 : vector<16xi1>, vector<16xi32>
          %reduce_min3A_224 = arith.constant true
          %reduce_min3A_225 = vector.broadcast %reduce_min3A_224 : i1 to vector<16xi1>
          %reduce_min3A_226 = arith.constant -2147483648 : i32
          %reduce_min3A_227 = vector.broadcast %reduce_min3A_226 : i32 to vector<16xi32>
          %reduce_min3A_228 = arith.xori %select_n3A_223, %reduce_min3A_227 : vector<16xi32>
          %reduce_min3A_229 = tpu.scan <min>, %reduce_min3A_228 masked %reduce_min3A_225 : vector<16xi32>, vector<16xi1> -> vector<16xi32>
          %reduce_min3A_230 = arith.xori %reduce_min3A_229, %reduce_min3A_227 : vector<16xi32>
          %reduce_min3A_231 = vector.extract %reduce_min3A_230[15] : i32 from vector<16xi32>
          %min3A_232 = arith.minsi %min3A_214, %reduce_min3A_231 : i32
          %get3A_233 = arith.constant 48 : index
          %get3A_234 = tpu.vector_load %arg7[%get3A_233] {strides = array<i32>} : memref<10240xf32, #tpu.memory_space<vmem>>, vector<16xf32>,
          %get3A_235 = arith.constant 48 : index
          %get3A_236 = tpu.vector_load %arg8[%get3A_235] {strides = array<i32>} : memref<10240xi32, #tpu.memory_space<vmem>>, vector<16xi32>,
          %eq3A_237 = vector.broadcast %reduce_max3A_179 : f32 to vector<16xf32>
          %eq3A_238 = arith.cmpf oeq, %get3A_234, %eq3A_237 : vector<16xf32>
          %jit3A_239 = arith.constant 1073741824 : i32
          %broadcast_in_dim3A_240 = vector.broadcast %jit3A_239 : i32 to vector<16xi32>
          %select_n3A_241 = arith.select %eq3A_238, %get3A_236, %broadcast_in_dim3A_240 : vector<16xi1>, vector<16xi32>
          %reduce_min3A_242 = arith.constant true
          %reduce_min3A_243 = vector.broadcast %reduce_min3A_242 : i1 to vector<16xi1>
          %reduce_min3A_244 = arith.constant -2147483648 : i32
          %reduce_min3A_245 = vector.broadcast %reduce_min3A_244 : i32 to vector<16xi32>
          %reduce_min3A_246 = arith.xori %select_n3A_241, %reduce_min3A_245 : vector<16xi32>
          %reduce_min3A_247 = tpu.scan <min>, %reduce_min3A_246 masked %reduce_min3A_243 : vector<16xi32>, vector<16xi1> -> vector<16xi32>
          %reduce_min3A_248 = arith.xori %reduce_min3A_247, %reduce_min3A_245 : vector<16xi32>
          %reduce_min3A_249 = vector.extract %reduce_min3A_248[15] : i32 from vector<16xi32>
          %min3A_250 = arith.minsi %min3A_232, %reduce_min3A_249 : i32
          %get3A_251 = arith.constant 64 : index
          %get3A_252 = tpu.vector_load %arg7[%get3A_251] {strides = array<i32>} : memref<10240xf32, #tpu.memory_space<vmem>>, vector<16xf32>,
          %get3A_253 = arith.constant 64 : index
          %get3A_254 = tpu.vector_load %arg8[%get3A_253] {strides = array<i32>} : memref<10240xi32, #tpu.memory_space<vmem>>, vector<16xi32>,
          %eq3A_255 = vector.broadcast %reduce_max3A_179 : f32 to vector<16xf32>
          %eq3A_256 = arith.cmpf oeq, %get3A_252, %eq3A_255 : vector<16xf32>
          %jit3A_257 = arith.constant 1073741824 : i32
          %broadcast_in_dim3A_258 = vector.broadcast %jit3A_257 : i32 to vector<16xi32>
          %select_n3A_259 = arith.select %eq3A_256, %get3A_254, %broadcast_in_dim3A_258 : vector<16xi1>, vector<16xi32>
          %reduce_min3A_260 = arith.constant true
          %reduce_min3A_261 = vector.broadcast %reduce_min3A_260 : i1 to vector<16xi1>
          %reduce_min3A_262 = arith.constant -2147483648 : i32
          %reduce_min3A_263 = vector.broadcast %reduce_min3A_262 : i32 to vector<16xi32>
          %reduce_min3A_264 = arith.xori %select_n3A_259, %reduce_min3A_263 : vector<16xi32>
          %reduce_min3A_265 = tpu.scan <min>, %reduce_min3A_264 masked %reduce_min3A_261 : vector<16xi32>, vector<16xi1> -> vector<16xi32>
          %reduce_min3A_266 = arith.xori %reduce_min3A_265, %reduce_min3A_263 : vector<16xi32>
          %reduce_min3A_267 = vector.extract %reduce_min3A_266[15] : i32 from vector<16xi32>
          %min3A_268 = arith.minsi %min3A_250, %reduce_min3A_267 : i32
          %get3A_269 = arith.constant 80 : index
          %get3A_270 = tpu.vector_load %arg7[%get3A_269] {strides = array<i32>} : memref<10240xf32, #tpu.memory_space<vmem>>, vector<16xf32>,
          %get3A_271 = arith.constant 80 : index
          %get3A_272 = tpu.vector_load %arg8[%get3A_271] {strides = array<i32>} : memref<10240xi32, #tpu.memory_space<vmem>>, vector<16xi32>,
          %eq3A_273 = vector.broadcast %reduce_max3A_179 : f32 to vector<16xf32>
          %eq3A_274 = arith.cmpf oeq, %get3A_270, %eq3A_273 : vector<16xf32>
          %jit3A_275 = arith.constant 1073741824 : i32
          %broadcast_in_dim3A_276 = vector.broadcast %jit3A_275 : i32 to vector<16xi32>
          %select_n3A_277 = arith.select %eq3A_274, %get3A_272, %broadcast_in_dim3A_276 : vector<16xi1>, vector<16xi32>
          %reduce_min3A_278 = arith.constant true
          %reduce_min3A_279 = vector.broadcast %reduce_min3A_278 : i1 to vector<16xi1>
          %reduce_min3A_280 = arith.constant -2147483648 : i32
          %reduce_min3A_281 = vector.broadcast %reduce_min3A_280 : i32 to vector<16xi32>
          %reduce_min3A_282 = arith.xori %select_n3A_277, %reduce_min3A_281 : vector<16xi32>
          %reduce_min3A_283 = tpu.scan <min>, %reduce_min3A_282 masked %reduce_min3A_279 : vector<16xi32>, vector<16xi1> -> vector<16xi32>
          %reduce_min3A_284 = arith.xori %reduce_min3A_283, %reduce_min3A_281 : vector<16xi32>
          %reduce_min3A_285 = vector.extract %reduce_min3A_284[15] : i32 from vector<16xi32>
          %min3A_286 = arith.minsi %min3A_268, %reduce_min3A_285 : i32
          %get3A_287 = arith.constant 96 : index
          %get3A_288 = tpu.vector_load %arg7[%get3A_287] {strides = array<i32>} : memref<10240xf32, #tpu.memory_space<vmem>>, vector<16xf32>,
          %get3A_289 = arith.constant 96 : index
          %get3A_290 = tpu.vector_load %arg8[%get3A_289] {strides = array<i32>} : memref<10240xi32, #tpu.memory_space<vmem>>, vector<16xi32>,
          %eq3A_291 = vector.broadcast %reduce_max3A_179 : f32 to vector<16xf32>
          %eq3A_292 = arith.cmpf oeq, %get3A_288, %eq3A_291 : vector<16xf32>
          %jit3A_293 = arith.constant 1073741824 : i32
          %broadcast_in_dim3A_294 = vector.broadcast %jit3A_293 : i32 to vector<16xi32>
          %select_n3A_295 = arith.select %eq3A_292, %get3A_290, %broadcast_in_dim3A_294 : vector<16xi1>, vector<16xi32>
          %reduce_min3A_296 = arith.constant true
          %reduce_min3A_297 = vector.broadcast %reduce_min3A_296 : i1 to vector<16xi1>
          %reduce_min3A_298 = arith.constant -2147483648 : i32
          %reduce_min3A_299 = vector.broadcast %reduce_min3A_298 : i32 to vector<16xi32>
          %reduce_min3A_300 = arith.xori %select_n3A_295, %reduce_min3A_299 : vector<16xi32>
          %reduce_min3A_301 = tpu.scan <min>, %reduce_min3A_300 masked %reduce_min3A_297 : vector<16xi32>, vector<16xi1> -> vector<16xi32>
          %reduce_min3A_302 = arith.xori %reduce_min3A_301, %reduce_min3A_299 : vector<16xi32>
          %reduce_min3A_303 = vector.extract %reduce_min3A_302[15] : i32 from vector<16xi32>
          %min3A_304 = arith.minsi %min3A_286, %reduce_min3A_303 : i32
          %get3A_305 = arith.constant 112 : index
          %get3A_306 = tpu.vector_load %arg7[%get3A_305] {strides = array<i32>} : memref<10240xf32, #tpu.memory_space<vmem>>, vector<16xf32>,
          %get3A_307 = arith.constant 112 : index
          %get3A_308 = tpu.vector_load %arg8[%get3A_307] {strides = array<i32>} : memref<10240xi32, #tpu.memory_space<vmem>>, vector<16xi32>,
          %eq3A_309 = vector.broadcast %reduce_max3A_179 : f32 to vector<16xf32>
          %eq3A_310 = arith.cmpf oeq, %get3A_306, %eq3A_309 : vector<16xf32>
          %jit3A_311 = arith.constant 1073741824 : i32
          %broadcast_in_dim3A_312 = vector.broadcast %jit3A_311 : i32 to vector<16xi32>
          %select_n3A_313 = arith.select %eq3A_310, %get3A_308, %broadcast_in_dim3A_312 : vector<16xi1>, vector<16xi32>
          %reduce_min3A_314 = arith.constant true
          %reduce_min3A_315 = vector.broadcast %reduce_min3A_314 : i1 to vector<16xi1>
          %reduce_min3A_316 = arith.constant -2147483648 : i32
          %reduce_min3A_317 = vector.broadcast %reduce_min3A_316 : i32 to vector<16xi32>
          %reduce_min3A_318 = arith.xori %select_n3A_313, %reduce_min3A_317 : vector<16xi32>
          %reduce_min3A_319 = tpu.scan <min>, %reduce_min3A_318 masked %reduce_min3A_315 : vector<16xi32>, vector<16xi1> -> vector<16xi32>
          %reduce_min3A_320 = arith.xori %reduce_min3A_319, %reduce_min3A_317 : vector<16xi32>
          %reduce_min3A_321 = vector.extract %reduce_min3A_320[15] : i32 from vector<16xi32>
          %min3A_322 = arith.minsi %min3A_304, %reduce_min3A_321 : i32
          %while3A_323 = arith.constant 8 : i32
          %while3A_324 = arith.subi %select_n3A, %while3A_323 : i32
          %while3A_325 = arith.addi %while3A_323, %while3A_324 : i32
          %while3A_326 = arith.constant 1 : i32
          %while3A_327 = arith.divsi %while3A_324, %while3A_326 : i32
          %while3A_328 = arith.muli %while3A_327, %while3A_326 : i32
          %while3A_329 = arith.addi %while3A_323, %while3A_328 : i32
          %while3A_330 = arith.constant 1 : i32
          %while3A_331 = scf.for %while3A_431 = %while3A_323 to %while3A_329 step %while3A_330 iter_args(%while3A_432 = %min3A_322) -> (i32)  : i32 {
            %mul3A_433 = arith.constant 16 : i32
            %mul3A_434 = arith.muli %while3A_431, %mul3A_433 : i32
            %get3A_435 = arith.index_cast %mul3A_434 : i32 to index
            %get3A_436 = tpu.vector_load %arg7[%get3A_435] {strides = array<i32>} : memref<10240xf32, #tpu.memory_space<vmem>>, vector<16xf32>,
            %mul3A_437 = arith.constant 16 : i32
            %mul3A_438 = arith.muli %while3A_431, %mul3A_437 : i32
            %get3A_439 = arith.index_cast %mul3A_438 : i32 to index
            %get3A_440 = tpu.vector_load %arg8[%get3A_439] {strides = array<i32>} : memref<10240xi32, #tpu.memory_space<vmem>>, vector<16xi32>,
            %eq3A_441 = vector.broadcast %reduce_max3A_179 : f32 to vector<16xf32>
            %eq3A_442 = arith.cmpf oeq, %get3A_436, %eq3A_441 : vector<16xf32>
            %jit3A_443 = arith.constant 1073741824 : i32
            %broadcast_in_dim3A_444 = vector.broadcast %jit3A_443 : i32 to vector<16xi32>
            %select_n3A_445 = arith.select %eq3A_442, %get3A_440, %broadcast_in_dim3A_444 : vector<16xi1>, vector<16xi32>
            %reduce_min3A_446 = arith.constant true
            %reduce_min3A_447 = vector.broadcast %reduce_min3A_446 : i1 to vector<16xi1>
            %reduce_min3A_448 = arith.constant -2147483648 : i32
            %reduce_min3A_449 = vector.broadcast %reduce_min3A_448 : i32 to vector<16xi32>
            %reduce_min3A_450 = arith.xori %select_n3A_445, %reduce_min3A_449 : vector<16xi32>
            %reduce_min3A_451 = tpu.scan <min>, %reduce_min3A_450 masked %reduce_min3A_447 : vector<16xi32>, vector<16xi1> -> vector<16xi32>
            %reduce_min3A_452 = arith.xori %reduce_min3A_451, %reduce_min3A_449 : vector<16xi32>
            %reduce_min3A_453 = vector.extract %reduce_min3A_452[15] : i32 from vector<16xi32>
            %min3A_454 = arith.minsi %while3A_432, %reduce_min3A_453 : i32
            scf.yield %min3A_454 : i32
          }
          %while3A_332 = arith.constant 1 : i32
          %while3A_333 = scf.for %while3A_431 = %while3A_329 to %while3A_325 step %while3A_332 iter_args(%while3A_432 = %while3A_331) -> (i32)  : i32 {
            %mul3A_433 = arith.constant 16 : i32
            %mul3A_434 = arith.muli %while3A_431, %mul3A_433 : i32
            %get3A_435 = arith.index_cast %mul3A_434 : i32 to index
            %get3A_436 = tpu.vector_load %arg7[%get3A_435] {strides = array<i32>} : memref<10240xf32, #tpu.memory_space<vmem>>, vector<16xf32>,
            %mul3A_437 = arith.constant 16 : i32
            %mul3A_438 = arith.muli %while3A_431, %mul3A_437 : i32
            %get3A_439 = arith.index_cast %mul3A_438 : i32 to index
            %get3A_440 = tpu.vector_load %arg8[%get3A_439] {strides = array<i32>} : memref<10240xi32, #tpu.memory_space<vmem>>, vector<16xi32>,
            %eq3A_441 = vector.broadcast %reduce_max3A_179 : f32 to vector<16xf32>
            %eq3A_442 = arith.cmpf oeq, %get3A_436, %eq3A_441 : vector<16xf32>
            %jit3A_443 = arith.constant 1073741824 : i32
            %broadcast_in_dim3A_444 = vector.broadcast %jit3A_443 : i32 to vector<16xi32>
            %select_n3A_445 = arith.select %eq3A_442, %get3A_440, %broadcast_in_dim3A_444 : vector<16xi1>, vector<16xi32>
            %reduce_min3A_446 = arith.constant true
            %reduce_min3A_447 = vector.broadcast %reduce_min3A_446 : i1 to vector<16xi1>
            %reduce_min3A_448 = arith.constant -2147483648 : i32
            %reduce_min3A_449 = vector.broadcast %reduce_min3A_448 : i32 to vector<16xi32>
            %reduce_min3A_450 = arith.xori %select_n3A_445, %reduce_min3A_449 : vector<16xi32>
            %reduce_min3A_451 = tpu.scan <min>, %reduce_min3A_450 masked %reduce_min3A_447 : vector<16xi32>, vector<16xi1> -> vector<16xi32>
            %reduce_min3A_452 = arith.xori %reduce_min3A_451, %reduce_min3A_449 : vector<16xi32>
            %reduce_min3A_453 = vector.extract %reduce_min3A_452[15] : i32 from vector<16xi32>
            %min3A_454 = arith.minsi %while3A_432, %reduce_min3A_453 : i32
            scf.yield %min3A_454 : i32
          }
          %get3A_334 = arith.constant 0 : index
          %get3A_335 = tpu.vector_load %arg7[%get3A_334] {strides = array<i32>} : memref<10240xf32, #tpu.memory_space<vmem>>, vector<16xf32>,
          %get3A_336 = arith.constant 0 : index
          %get3A_337 = tpu.vector_load %arg8[%get3A_336] {strides = array<i32>} : memref<10240xi32, #tpu.memory_space<vmem>>, vector<16xi32>,
          %eq3A_338 = vector.broadcast %while3A_333 : i32 to vector<16xi32>
          %eq3A_339 = arith.cmpi eq, %get3A_337, %eq3A_338 : vector<16xi32>
          %select_n3A_340 = arith.select %eq3A_339, %add3A_6, %get3A_335 : vector<16xi1>, vector<16xf32>
          %swap3A_341 = arith.constant 0 : index
          %swap3A_342 = tpu.vector_load %arg7[%swap3A_341] {strides = array<i32>} : memref<10240xf32, #tpu.memory_space<vmem>>, vector<16xf32>,
          tpu.vector_store %arg7[%swap3A_341], %select_n3A_340 {strides = array<i32>} : memref<10240xf32, #tpu.memory_space<vmem>>, vector<16xf32>,
          %get3A_343 = arith.constant 16 : index
          %get3A_344 = tpu.vector_load %arg7[%get3A_343] {strides = array<i32>} : memref<10240xf32, #tpu.memory_space<vmem>>, vector<16xf32>,
          %get3A_345 = arith.constant 16 : index
          %get3A_346 = tpu.vector_load %arg8[%get3A_345] {strides = array<i32>} : memref<10240xi32, #tpu.memory_space<vmem>>, vector<16xi32>,
          %eq3A_347 = vector.broadcast %while3A_333 : i32 to vector<16xi32>
          %eq3A_348 = arith.cmpi eq, %get3A_346, %eq3A_347 : vector<16xi32>
          %select_n3A_349 = arith.select %eq3A_348, %add3A_6, %get3A_344 : vector<16xi1>, vector<16xf32>
          %swap3A_350 = arith.constant 16 : index
          %swap3A_351 = tpu.vector_load %arg7[%swap3A_350] {strides = array<i32>} : memref<10240xf32, #tpu.memory_space<vmem>>, vector<16xf32>,
          tpu.vector_store %arg7[%swap3A_350], %select_n3A_349 {strides = array<i32>} : memref<10240xf32, #tpu.memory_space<vmem>>, vector<16xf32>,
          %get3A_352 = arith.constant 32 : index
          %get3A_353 = tpu.vector_load %arg7[%get3A_352] {strides = array<i32>} : memref<10240xf32, #tpu.memory_space<vmem>>, vector<16xf32>,
          %get3A_354 = arith.constant 32 : index
          %get3A_355 = tpu.vector_load %arg8[%get3A_354] {strides = array<i32>} : memref<10240xi32, #tpu.memory_space<vmem>>, vector<16xi32>,
          %eq3A_356 = vector.broadcast %while3A_333 : i32 to vector<16xi32>
          %eq3A_357 = arith.cmpi eq, %get3A_355, %eq3A_356 : vector<16xi32>
          %select_n3A_358 = arith.select %eq3A_357, %add3A_6, %get3A_353 : vector<16xi1>, vector<16xf32>
          %swap3A_359 = arith.constant 32 : index
          %swap3A_360 = tpu.vector_load %arg7[%swap3A_359] {strides = array<i32>} : memref<10240xf32, #tpu.memory_space<vmem>>, vector<16xf32>,
          tpu.vector_store %arg7[%swap3A_359], %select_n3A_358 {strides = array<i32>} : memref<10240xf32, #tpu.memory_space<vmem>>, vector<16xf32>,
          %get3A_361 = arith.constant 48 : index
          %get3A_362 = tpu.vector_load %arg7[%get3A_361] {strides = array<i32>} : memref<10240xf32, #tpu.memory_space<vmem>>, vector<16xf32>,
          %get3A_363 = arith.constant 48 : index
          %get3A_364 = tpu.vector_load %arg8[%get3A_363] {strides = array<i32>} : memref<10240xi32, #tpu.memory_space<vmem>>, vector<16xi32>,
          %eq3A_365 = vector.broadcast %while3A_333 : i32 to vector<16xi32>
          %eq3A_366 = arith.cmpi eq, %get3A_364, %eq3A_365 : vector<16xi32>
          %select_n3A_367 = arith.select %eq3A_366, %add3A_6, %get3A_362 : vector<16xi1>, vector<16xf32>
          %swap3A_368 = arith.constant 48 : index
          %swap3A_369 = tpu.vector_load %arg7[%swap3A_368] {strides = array<i32>} : memref<10240xf32, #tpu.memory_space<vmem>>, vector<16xf32>,
          tpu.vector_store %arg7[%swap3A_368], %select_n3A_367 {strides = array<i32>} : memref<10240xf32, #tpu.memory_space<vmem>>, vector<16xf32>,
          %get3A_370 = arith.constant 64 : index
          %get3A_371 = tpu.vector_load %arg7[%get3A_370] {strides = array<i32>} : memref<10240xf32, #tpu.memory_space<vmem>>, vector<16xf32>,
          %get3A_372 = arith.constant 64 : index
          %get3A_373 = tpu.vector_load %arg8[%get3A_372] {strides = array<i32>} : memref<10240xi32, #tpu.memory_space<vmem>>, vector<16xi32>,
          %eq3A_374 = vector.broadcast %while3A_333 : i32 to vector<16xi32>
          %eq3A_375 = arith.cmpi eq, %get3A_373, %eq3A_374 : vector<16xi32>
          %select_n3A_376 = arith.select %eq3A_375, %add3A_6, %get3A_371 : vector<16xi1>, vector<16xf32>
          %swap3A_377 = arith.constant 64 : index
          %swap3A_378 = tpu.vector_load %arg7[%swap3A_377] {strides = array<i32>} : memref<10240xf32, #tpu.memory_space<vmem>>, vector<16xf32>,
          tpu.vector_store %arg7[%swap3A_377], %select_n3A_376 {strides = array<i32>} : memref<10240xf32, #tpu.memory_space<vmem>>, vector<16xf32>,
          %get3A_379 = arith.constant 80 : index
          %get3A_380 = tpu.vector_load %arg7[%get3A_379] {strides = array<i32>} : memref<10240xf32, #tpu.memory_space<vmem>>, vector<16xf32>,
          %get3A_381 = arith.constant 80 : index
          %get3A_382 = tpu.vector_load %arg8[%get3A_381] {strides = array<i32>} : memref<10240xi32, #tpu.memory_space<vmem>>, vector<16xi32>,
          %eq3A_383 = vector.broadcast %while3A_333 : i32 to vector<16xi32>
          %eq3A_384 = arith.cmpi eq, %get3A_382, %eq3A_383 : vector<16xi32>
          %select_n3A_385 = arith.select %eq3A_384, %add3A_6, %get3A_380 : vector<16xi1>, vector<16xf32>
          %swap3A_386 = arith.constant 80 : index
          %swap3A_387 = tpu.vector_load %arg7[%swap3A_386] {strides = array<i32>} : memref<10240xf32, #tpu.memory_space<vmem>>, vector<16xf32>,
          tpu.vector_store %arg7[%swap3A_386], %select_n3A_385 {strides = array<i32>} : memref<10240xf32, #tpu.memory_space<vmem>>, vector<16xf32>,
          %get3A_388 = arith.constant 96 : index
          %get3A_389 = tpu.vector_load %arg7[%get3A_388] {strides = array<i32>} : memref<10240xf32, #tpu.memory_space<vmem>>, vector<16xf32>,
          %get3A_390 = arith.constant 96 : index
          %get3A_391 = tpu.vector_load %arg8[%get3A_390] {strides = array<i32>} : memref<10240xi32, #tpu.memory_space<vmem>>, vector<16xi32>,
          %eq3A_392 = vector.broadcast %while3A_333 : i32 to vector<16xi32>
          %eq3A_393 = arith.cmpi eq, %get3A_391, %eq3A_392 : vector<16xi32>
          %select_n3A_394 = arith.select %eq3A_393, %add3A_6, %get3A_389 : vector<16xi1>, vector<16xf32>
          %swap3A_395 = arith.constant 96 : index
          %swap3A_396 = tpu.vector_load %arg7[%swap3A_395] {strides = array<i32>} : memref<10240xf32, #tpu.memory_space<vmem>>, vector<16xf32>,
          tpu.vector_store %arg7[%swap3A_395], %select_n3A_394 {strides = array<i32>} : memref<10240xf32, #tpu.memory_space<vmem>>, vector<16xf32>,
          %get3A_397 = arith.constant 112 : index
          %get3A_398 = tpu.vector_load %arg7[%get3A_397] {strides = array<i32>} : memref<10240xf32, #tpu.memory_space<vmem>>, vector<16xf32>,
          %get3A_399 = arith.constant 112 : index
          %get3A_400 = tpu.vector_load %arg8[%get3A_399] {strides = array<i32>} : memref<10240xi32, #tpu.memory_space<vmem>>, vector<16xi32>,
          %eq3A_401 = vector.broadcast %while3A_333 : i32 to vector<16xi32>
          %eq3A_402 = arith.cmpi eq, %get3A_400, %eq3A_401 : vector<16xi32>
          %select_n3A_403 = arith.select %eq3A_402, %add3A_6, %get3A_398 : vector<16xi1>, vector<16xf32>
          %swap3A_404 = arith.constant 112 : index
          %swap3A_405 = tpu.vector_load %arg7[%swap3A_404] {strides = array<i32>} : memref<10240xf32, #tpu.memory_space<vmem>>, vector<16xf32>,
          tpu.vector_store %arg7[%swap3A_404], %select_n3A_403 {strides = array<i32>} : memref<10240xf32, #tpu.memory_space<vmem>>, vector<16xf32>,
          %while3A_406 = arith.constant 0 : i32
          %while3A_407 = arith.constant 8 : i32
          %while3A_408 = arith.subi %select_n3A, %while3A_407 : i32
          %while3A_409 = arith.addi %while3A_407, %while3A_408 : i32
          %while3A_410 = arith.constant 1 : i32
          %while3A_411 = arith.divsi %while3A_408, %while3A_410 : i32
          %while3A_412 = arith.muli %while3A_411, %while3A_410 : i32
          %while3A_413 = arith.addi %while3A_407, %while3A_412 : i32
          %while3A_414 = arith.constant 1 : i32
          scf.for %while3A_431 = %while3A_407 to %while3A_413 step %while3A_414  : i32 {
            %mul3A_432 = arith.constant 16 : i32
            %mul3A_433 = arith.muli %while3A_431, %mul3A_432 : i32
            %get3A_434 = arith.index_cast %mul3A_433 : i32 to index
            %get3A_435 = tpu.vector_load %arg7[%get3A_434] {strides = array<i32>} : memref<10240xf32, #tpu.memory_space<vmem>>, vector<16xf32>,
            %mul3A_436 = arith.constant 16 : i32
            %mul3A_437 = arith.muli %while3A_431, %mul3A_436 : i32
            %get3A_438 = arith.index_cast %mul3A_437 : i32 to index
            %get3A_439 = tpu.vector_load %arg8[%get3A_438] {strides = array<i32>} : memref<10240xi32, #tpu.memory_space<vmem>>, vector<16xi32>,
            %eq3A_440 = vector.broadcast %while3A_333 : i32 to vector<16xi32>
            %eq3A_441 = arith.cmpi eq, %get3A_439, %eq3A_440 : vector<16xi32>
            %select_n3A_442 = arith.select %eq3A_441, %add3A_6, %get3A_435 : vector<16xi1>, vector<16xf32>
            %mul3A_443 = arith.constant 16 : i32
            %mul3A_444 = arith.muli %while3A_431, %mul3A_443 : i32
            %swap3A_445 = arith.index_cast %mul3A_444 : i32 to index
            %swap3A_446 = tpu.vector_load %arg7[%swap3A_445] {strides = array<i32>} : memref<10240xf32, #tpu.memory_space<vmem>>, vector<16xf32>,
            tpu.vector_store %arg7[%swap3A_445], %select_n3A_442 {strides = array<i32>} : memref<10240xf32, #tpu.memory_space<vmem>>, vector<16xf32>,
          }
          %while3A_415 = arith.constant 1 : i32
          scf.for %while3A_431 = %while3A_413 to %while3A_409 step %while3A_415  : i32 {
            %mul3A_432 = arith.constant 16 : i32
            %mul3A_433 = arith.muli %while3A_431, %mul3A_432 : i32
            %get3A_434 = arith.index_cast %mul3A_433 : i32 to index
            %get3A_435 = tpu.vector_load %arg7[%get3A_434] {strides = array<i32>} : memref<10240xf32, #tpu.memory_space<vmem>>, vector<16xf32>,
            %mul3A_436 = arith.constant 16 : i32
            %mul3A_437 = arith.muli %while3A_431, %mul3A_436 : i32
            %get3A_438 = arith.index_cast %mul3A_437 : i32 to index
            %get3A_439 = tpu.vector_load %arg8[%get3A_438] {strides = array<i32>} : memref<10240xi32, #tpu.memory_space<vmem>>, vector<16xi32>,
            %eq3A_440 = vector.broadcast %while3A_333 : i32 to vector<16xi32>
            %eq3A_441 = arith.cmpi eq, %get3A_439, %eq3A_440 : vector<16xi32>
            %select_n3A_442 = arith.select %eq3A_441, %add3A_6, %get3A_435 : vector<16xi1>, vector<16xf32>
            %mul3A_443 = arith.constant 16 : i32
            %mul3A_444 = arith.muli %while3A_431, %mul3A_443 : i32
            %swap3A_445 = arith.index_cast %mul3A_444 : i32 to index
            %swap3A_446 = tpu.vector_load %arg7[%swap3A_445] {strides = array<i32>} : memref<10240xf32, #tpu.memory_space<vmem>>, vector<16xf32>,
            tpu.vector_store %arg7[%swap3A_445], %select_n3A_442 {strides = array<i32>} : memref<10240xf32, #tpu.memory_space<vmem>>, vector<16xf32>,
          }
          %broadcast_in_dim3A_416 = arith.constant 0.000000e+00 : f32
          %broadcast_in_dim3A_417 = vector.broadcast %broadcast_in_dim3A_416 : f32 to vector<16xf32>
          %add3A_418 = vector.broadcast %reduce_max3A_179 : f32 to vector<16xf32>
          %add3A_419 = arith.addf %broadcast_in_dim3A_417, %add3A_418 : vector<16xf32>
          %broadcast_in_dim3A_420 = arith.constant 0 : i32
          %broadcast_in_dim3A_421 = vector.broadcast %broadcast_in_dim3A_420 : i32 to vector<16xi32>
          %add3A_422 = vector.broadcast %while3A_333 : i32 to vector<16xi32>
          %add3A_423 = arith.addi %broadcast_in_dim3A_421, %add3A_422 : vector<16xi32>
          %add3A_424 = arith.addi %mul3A_114, %scan3A_143 : i32
          %swap3A_425 = arith.index_cast %add3A_424 : i32 to index
          %swap3A_426 = tpu.vector_load %arg10[%swap3A_425] masked %eq3A_8 {strides = array<i32>} : memref<15360xf32, #tpu.memory_space<vmem>>, vector<16xf32>, vector<16xi1>
          tpu.vector_store %arg10[%swap3A_425], %add3A_419 masked %eq3A_8 {strides = array<i32>} : memref<15360xf32, #tpu.memory_space<vmem>>, vector<16xf32>, vector<16xi1>
          %add3A_427 = arith.addi %mul3A_114, %scan3A_143 : i32
          %swap3A_428 = arith.index_cast %add3A_427 : i32 to index
          %swap3A_429 = tpu.vector_load %arg11[%swap3A_428] masked %eq3A_8 {strides = array<i32>} : memref<15360xi32, #tpu.memory_space<vmem>>, vector<16xi32>, vector<16xi1>
          tpu.vector_store %arg11[%swap3A_428], %add3A_423 masked %eq3A_8 {strides = array<i32>} : memref<15360xi32, #tpu.memory_space<vmem>>, vector<16xi32>, vector<16xi1>
          %add3A_430 = arith.addf %scan3A_144, %reduce_max3A_179 : f32
          scf.yield %add3A_430 : f32
        }
        %scan3A_142 = arith.constant 33 : i32
        scf.yield %scan3A_141 : f32
      }
      %add3A_131 = arith.addi %mul3A_2, %scan3A_24 : i32
      %lt3A = arith.constant 10000 : i32
      %lt3A_132 = arith.cmpi slt, %add3A_131, %lt3A : i32
      %convert_element_type3A_133 = arith.extui %lt3A_132 : i1 to i32
      %cond3A_134 = arith.constant 0 : i32
      %cond3A_135 = arith.cmpi ne, %convert_element_type3A_133, %cond3A_134 : i32
      scf.if %cond3A_135 {
        %add3A_136 = arith.constant 0 : i32
        %add3A_137 = arith.addi %mul3A_114, %add3A_136 : i32
        %get3A = arith.index_cast %add3A_137 : i32 to index
        %get3A_138 = tpu.vector_load %arg10[%get3A] {strides = array<i32>} : memref<15360xf32, #tpu.memory_space<vmem>>, vector<16xf32>,
        %add3A_139 = arith.constant 0 : i32
        %add3A_140 = arith.addi %mul3A_114, %add3A_139 : i32
        %get3A_141 = arith.index_cast %add3A_140 : i32 to index
        %get3A_142 = tpu.vector_load %arg11[%get3A_141] {strides = array<i32>} : memref<15360xi32, #tpu.memory_space<vmem>>, vector<16xi32>,
        tpu.vector_store_idx %arg9[%get3A_142], %get3A_138 {add = true} : memref<10256xf32, #tpu.memory_space<vmem>>[vector<16xi32>], vector<16xf32>,
        %add3A_143 = arith.constant 16 : i32
        %add3A_144 = arith.addi %mul3A_114, %add3A_143 : i32
        %get3A_145 = arith.index_cast %add3A_144 : i32 to index
        %get3A_146 = tpu.vector_load %arg10[%get3A_145] {strides = array<i32>} : memref<15360xf32, #tpu.memory_space<vmem>>, vector<16xf32>,
        %add3A_147 = arith.constant 16 : i32
        %add3A_148 = arith.addi %mul3A_114, %add3A_147 : i32
        %get3A_149 = arith.index_cast %add3A_148 : i32 to index
        %get3A_150 = tpu.vector_load %arg11[%get3A_149] {strides = array<i32>} : memref<15360xi32, #tpu.memory_space<vmem>>, vector<16xi32>,
        tpu.vector_store_idx %arg9[%get3A_150], %get3A_146 {add = true} : memref<10256xf32, #tpu.memory_space<vmem>>[vector<16xi32>], vector<16xf32>,
        %add3A_151 = arith.constant 32 : i32
        %add3A_152 = arith.addi %mul3A_114, %add3A_151 : i32
        %get3A_153 = arith.index_cast %add3A_152 : i32 to index
        %get3A_154 = tpu.vector_load %arg10[%get3A_153] {strides = array<i32>} : memref<15360xf32, #tpu.memory_space<vmem>>, vector<16xf32>,
        %add3A_155 = arith.constant 32 : i32
        %add3A_156 = arith.addi %mul3A_114, %add3A_155 : i32
        %get3A_157 = arith.index_cast %add3A_156 : i32 to index
        %get3A_158 = tpu.vector_load %arg11[%get3A_157] {strides = array<i32>} : memref<15360xi32, #tpu.memory_space<vmem>>, vector<16xi32>,
        tpu.vector_store_idx %arg9[%get3A_158], %get3A_154 {add = true} : memref<10256xf32, #tpu.memory_space<vmem>>[vector<16xi32>], vector<16xf32>,
        %add3A_159 = arith.addi %mul3A_2, %scan3A_24 : i32
        %add3A_160 = vector.broadcast %add3A_159 : i32 to vector<16xi32>
        %add3A_161 = arith.addi %iota3A, %add3A_160 : vector<16xi32>
        %broadcast_in_dim3A_162 = arith.constant 0.000000e+00 : f32
        %broadcast_in_dim3A_163 = vector.broadcast %broadcast_in_dim3A_162 : f32 to vector<16xf32>
        %add3A_164 = vector.broadcast %cond3A_130 : f32 to vector<16xf32>
        %add3A_165 = arith.addf %broadcast_in_dim3A_163, %add3A_164 : vector<16xf32>
        tpu.vector_store_idx %arg9[%add3A_161], %add3A_165 masked %eq3A_8 {add = true} : memref<10256xf32, #tpu.memory_space<vmem>>[vector<16xi32>], vector<16xf32>, vector<16xi1>
      } else {
      }
    }
    %scan3A_19 = arith.constant 320 : i32
    %mul3A_20 = arith.constant 48 : i32
    %mul3A_21 = arith.muli %mul3A_2, %mul3A_20 : i32
    "tpu.region"() ({
      %run_scoped3A = tpu.sem_alloc : memref<!tpu.dma_semaphore, #tpu.memory_space<semaphore_mem>>
      %dma_start3A = tpu.memref_slice %arg3[%mul3A_21] : memref<491520xf32, #tpu.memory_space<hbm>> -> memref<15360xf32, #tpu.memory_space<hbm>>
      %dma_start3A_24 = tpu.memref_slice %arg3[%mul3A_21] : memref<491520xf32, #tpu.memory_space<hbm>> -> memref<15360xf32, #tpu.memory_space<hbm>>
      tpu.enqueue_dma source(%arg10 : memref<15360xf32, #tpu.memory_space<vmem>>) target(%dma_start3A_24 : memref<15360xf32, #tpu.memory_space<hbm>>) target_semaphore(%run_scoped3A : memref<!tpu.dma_semaphore, #tpu.memory_space<semaphore_mem>>)
      %dma_wait3A = tpu.memref_slice %arg3[%mul3A_21] : memref<491520xf32, #tpu.memory_space<hbm>> -> memref<15360xf32, #tpu.memory_space<hbm>>
      %dma_wait3A_25 = tpu.memref_slice %arg3[%mul3A_21] : memref<491520xf32, #tpu.memory_space<hbm>> -> memref<15360xf32, #tpu.memory_space<hbm>>
      tpu.wait_dma2 semaphore(%run_scoped3A : memref<!tpu.dma_semaphore, #tpu.memory_space<semaphore_mem>>) src(%arg10 : memref<15360xf32, #tpu.memory_space<vmem>>) dst(%dma_wait3A_25 : memref<15360xf32, #tpu.memory_space<hbm>>)
      tpu.yield
    }) : () -> ()
    %mul3A_22 = arith.constant 48 : i32
    %mul3A_23 = arith.muli %mul3A_2, %mul3A_22 : i32
    "tpu.region"() ({
      %run_scoped3A = tpu.sem_alloc : memref<!tpu.dma_semaphore, #tpu.memory_space<semaphore_mem>>
      %dma_start3A = tpu.memref_slice %arg4[%mul3A_23] : memref<491520xi32, #tpu.memory_space<hbm>> -> memref<15360xi32, #tpu.memory_space<hbm>>
      %dma_start3A_24 = tpu.memref_slice %arg4[%mul3A_23] : memref<491520xi32, #tpu.memory_space<hbm>> -> memref<15360xi32, #tpu.memory_space<hbm>>
      tpu.enqueue_dma source(%arg11 : memref<15360xi32, #tpu.memory_space<vmem>>) target(%dma_start3A_24 : memref<15360xi32, #tpu.memory_space<hbm>>) target_semaphore(%run_scoped3A : memref<!tpu.dma_semaphore, #tpu.memory_space<semaphore_mem>>)
      %dma_wait3A = tpu.memref_slice %arg4[%mul3A_23] : memref<491520xi32, #tpu.memory_space<hbm>> -> memref<15360xi32, #tpu.memory_space<hbm>>
      %dma_wait3A_25 = tpu.memref_slice %arg4[%mul3A_23] : memref<491520xi32, #tpu.memory_space<hbm>> -> memref<15360xi32, #tpu.memory_space<hbm>>
      tpu.wait_dma2 semaphore(%run_scoped3A : memref<!tpu.dma_semaphore, #tpu.memory_space<semaphore_mem>>) src(%arg11 : memref<15360xi32, #tpu.memory_space<vmem>>) dst(%dma_wait3A_25 : memref<15360xi32, #tpu.memory_space<hbm>>)
      tpu.yield
    }) : () -> ()
    "tpu.region"() ({
      %run_scoped3A = tpu.sem_alloc : memref<!tpu.dma_semaphore, #tpu.memory_space<semaphore_mem>>
      %dma_start3A = arith.constant 0 : i32
      %dma_start3A_24 = tpu.memref_slice %arg9[%dma_start3A] : memref<10256xf32, #tpu.memory_space<vmem>> -> memref<10240xf32, #tpu.memory_space<vmem>>
      %dma_start3A_25 = arith.constant 0 : i32
      %dma_start3A_26 = tpu.memref_slice %arg5[%add3A, %dma_start3A_25] : memref<32x10240xf32, #tpu.memory_space<hbm>> -> memref<1x10240xf32, #tpu.memory_space<hbm>>
      %dma_start3A_27 = tpu.memref_squeeze %dma_start3A_26 : memref<1x10240xf32, #tpu.memory_space<hbm>> -> memref<10240xf32, #tpu.memory_space<hbm>>
      %dma_start3A_28 = arith.constant 0 : i32
      %dma_start3A_29 = tpu.memref_slice %arg5[%add3A, %dma_start3A_28] : memref<32x10240xf32, #tpu.memory_space<hbm>> -> memref<1x10240xf32, #tpu.memory_space<hbm>>
      %dma_start3A_30 = tpu.memref_squeeze %dma_start3A_29 : memref<1x10240xf32, #tpu.memory_space<hbm>> -> memref<10240xf32, #tpu.memory_space<hbm>>
      %dma_start3A_31 = arith.constant 0 : i32
      %dma_start3A_32 = tpu.memref_slice %arg9[%dma_start3A_31] : memref<10256xf32, #tpu.memory_space<vmem>> -> memref<10240xf32, #tpu.memory_space<vmem>>
      tpu.enqueue_dma source(%dma_start3A_32 : memref<10240xf32, #tpu.memory_space<vmem>>) target(%dma_start3A_30 : memref<10240xf32, #tpu.memory_space<hbm>>) target_semaphore(%run_scoped3A : memref<!tpu.dma_semaphore, #tpu.memory_space<semaphore_mem>>)
      %dma_wait3A = arith.constant 0 : i32
      %dma_wait3A_33 = tpu.memref_slice %arg9[%dma_wait3A] : memref<10256xf32, #tpu.memory_space<vmem>> -> memref<10240xf32, #tpu.memory_space<vmem>>
      %dma_wait3A_34 = arith.constant 0 : i32
      %dma_wait3A_35 = tpu.memref_slice %arg5[%add3A, %dma_wait3A_34] : memref<32x10240xf32, #tpu.memory_space<hbm>> -> memref<1x10240xf32, #tpu.memory_space<hbm>>
      %dma_wait3A_36 = tpu.memref_squeeze %dma_wait3A_35 : memref<1x10240xf32, #tpu.memory_space<hbm>> -> memref<10240xf32, #tpu.memory_space<hbm>>
      %dma_wait3A_37 = arith.constant 0 : i32
      %dma_wait3A_38 = tpu.memref_slice %arg5[%add3A, %dma_wait3A_37] : memref<32x10240xf32, #tpu.memory_space<hbm>> -> memref<1x10240xf32, #tpu.memory_space<hbm>>
      %dma_wait3A_39 = tpu.memref_squeeze %dma_wait3A_38 : memref<1x10240xf32, #tpu.memory_space<hbm>> -> memref<10240xf32, #tpu.memory_space<hbm>>
      %dma_wait3A_40 = arith.constant 0 : i32
      %dma_wait3A_41 = tpu.memref_slice %arg9[%dma_wait3A_40] : memref<10256xf32, #tpu.memory_space<vmem>> -> memref<10240xf32, #tpu.memory_space<vmem>>
      tpu.wait_dma2 semaphore(%run_scoped3A : memref<!tpu.dma_semaphore, #tpu.memory_space<semaphore_mem>>) src(%dma_wait3A_41 : memref<10240xf32, #tpu.memory_space<vmem>>) dst(%dma_wait3A_39 : memref<10240xf32, #tpu.memory_space<hbm>>)
      tpu.yield
    }) : () -> ()
    return
  }
}

module attributes {stable_mosaic.version = 14 : i64} {
  func.func @_mlp_body(%arg0: i32, %arg1: memref<128x512xf32, #tpu.memory_space<vmem>>, %arg2: memref<512x512xf32, #tpu.memory_space<vmem>>, %arg3: memref<1x512xf32, #tpu.memory_space<vmem>>, %arg4: memref<512x512xf32, #tpu.memory_space<vmem>>, %arg5: memref<1x512xf32, #tpu.memory_space<vmem>>, %arg6: memref<128x512xf32, #tpu.memory_space<vmem>>, %arg7: memref<128x512xf32, #tpu.memory_space<vmem>>) attributes {dimension_semantics = [#tpu.dimension_semantics<arbitrary>], iteration_bounds = array<i64: 80>, scalar_prefetch = 0 : i64, scratch_operands = 0 : i64, tpu.core_type = #tpu.core_type<tc>, window_params = [{transform_indices = @transform_0, window_bounds = array<i64: 128, 512>}, {pipeline_mode = #tpu.pipeline_mode<synchronous>, transform_indices = @transform_1, window_bounds = array<i64: 512, 512>}, {pipeline_mode = #tpu.pipeline_mode<synchronous>, transform_indices = @transform_2, window_bounds = array<i64: 1, 512>}, {pipeline_mode = #tpu.pipeline_mode<synchronous>, transform_indices = @transform_3, window_bounds = array<i64: 512, 512>}, {pipeline_mode = #tpu.pipeline_mode<synchronous>, transform_indices = @transform_4, window_bounds = array<i64: 1, 512>}, {transform_indices = @transform_5, window_bounds = array<i64: 128, 512>}, {transform_indices = @transform_6, window_bounds = array<i64: 128, 512>}]} {
    %get3A = arith.constant 0 : index
    %get3A_0 = arith.constant 0 : index
    %get3A_1 = vector.load %arg1[%get3A, %get3A_0] : memref<128x512xf32, #tpu.memory_space<vmem>>, vector<128x512xf32>
    %get3A_2 = arith.constant 0 : index
    %get3A_3 = arith.constant 0 : index
    %get3A_4 = vector.load %arg2[%get3A_2, %get3A_3] : memref<512x512xf32, #tpu.memory_space<vmem>>, vector<512x512xf32>
    %dot_general3A = arith.constant dense<0.000000e+00> : vector<128x512xf32>
    %dot_general3A_5 = tpu.matmul %get3A_1, %get3A_4, %dot_general3A {dimension_numbers = #tpu.dot_dimension_numbers<[1], [0], [0], [1], [0, 0, 1, 1], [], []>, transpose_lhs_hint = false} : vector<128x512xf32>, vector<512x512xf32>, vector<128x512xf32> -> vector<128x512xf32>
    %get3A_6 = arith.constant 0 : index
    %get3A_7 = arith.constant 0 : index
    %get3A_8 = vector.load %arg3[%get3A_6, %get3A_7] : memref<1x512xf32, #tpu.memory_space<vmem>>, vector<1x512xf32>
    %add3A = vector.broadcast %get3A_8 : vector<1x512xf32> to vector<128x512xf32>
    %add3A_9 = arith.addf %dot_general3A_5, %add3A : vector<128x512xf32>
    %max3A = arith.constant 0.000000e+00 : f32
    %max3A_10 = vector.broadcast %max3A : f32 to vector<128x512xf32>
    %max3A_11 = arith.maximumf %add3A_9, %max3A_10 : vector<128x512xf32>
    %get3A_12 = arith.constant 0 : index
    %get3A_13 = arith.constant 0 : index
    %get3A_14 = vector.load %arg4[%get3A_12, %get3A_13] : memref<512x512xf32, #tpu.memory_space<vmem>>, vector<512x512xf32>
    %dot_general3A_15 = arith.constant dense<0.000000e+00> : vector<128x512xf32>
    %dot_general3A_16 = tpu.matmul %max3A_11, %get3A_14, %dot_general3A_15 {dimension_numbers = #tpu.dot_dimension_numbers<[1], [0], [0], [1], [0, 0, 1, 1], [], []>, transpose_lhs_hint = false} : vector<128x512xf32>, vector<512x512xf32>, vector<128x512xf32> -> vector<128x512xf32>
    %get3A_17 = arith.constant 0 : index
    %get3A_18 = arith.constant 0 : index
    %get3A_19 = vector.load %arg5[%get3A_17, %get3A_18] : memref<1x512xf32, #tpu.memory_space<vmem>>, vector<1x512xf32>
    %add3A_20 = vector.broadcast %get3A_19 : vector<1x512xf32> to vector<128x512xf32>
    %add3A_21 = arith.addf %dot_general3A_16, %add3A_20 : vector<128x512xf32>
    %swap3A = arith.constant 0 : index
    %swap3A_22 = arith.constant 0 : index
    %swap3A_23 = vector.load %arg6[%swap3A, %swap3A_22] : memref<128x512xf32, #tpu.memory_space<vmem>>, vector<128x512xf32>
    tpu.vector_store %arg6[%swap3A, %swap3A_22], %add3A_21 {strides = array<i32>} : memref<128x512xf32, #tpu.memory_space<vmem>>, vector<128x512xf32>,
    %mul3A = arith.mulf %add3A_21, %add3A_21 : vector<128x512xf32>
    %reduce_sum3A = arith.constant dense<0.000000e+00> : vector<128xf32>
    %reduce_sum3A_24 = vector.multi_reduction <add>, %mul3A, %reduce_sum3A [1] : vector<128x512xf32> to vector<128xf32>
    %broadcast_in_dim3A = vector.shape_cast %reduce_sum3A_24 : vector<128xf32> to vector<128x1xf32>
    %sqrt3A = math.sqrt %broadcast_in_dim3A : vector<128x1xf32>
    %max3A_25 = arith.constant 9.99999996E-13 : f32
    %max3A_26 = vector.broadcast %max3A_25 : f32 to vector<128x1xf32>
    %max3A_27 = arith.maximumf %sqrt3A, %max3A_26 : vector<128x1xf32>
    %div3A = vector.broadcast %max3A_27 : vector<128x1xf32> to vector<128x512xf32>
    %div3A_28 = arith.divf %add3A_21, %div3A : vector<128x512xf32>
    %swap3A_29 = arith.constant 0 : index
    %swap3A_30 = arith.constant 0 : index
    %swap3A_31 = vector.load %arg7[%swap3A_29, %swap3A_30] : memref<128x512xf32, #tpu.memory_space<vmem>>, vector<128x512xf32>
    tpu.vector_store %arg7[%swap3A_29, %swap3A_30], %div3A_28 {strides = array<i32>} : memref<128x512xf32, #tpu.memory_space<vmem>>, vector<128x512xf32>,
    return
  }
  func.func @transform_0(%arg0: i32) -> (i32, i32) {
    %c0_i32 = arith.constant 0 : i32
    %c0_i32_0 = arith.constant 0 : i32
    return %arg0, %c0_i32 : i32, i32
  }
  func.func @transform_1(%arg0: i32) -> (i32, i32) {
    %c0_i32 = arith.constant 0 : i32
    %c0_i32_0 = arith.constant 0 : i32
    %c0_i32_1 = arith.constant 0 : i32
    return %c0_i32, %c0_i32_0 : i32, i32
  }
  func.func @transform_2(%arg0: i32) -> (i32, i32) {
    %c0_i32 = arith.constant 0 : i32
    %c0_i32_0 = arith.constant 0 : i32
    %c0_i32_1 = arith.constant 0 : i32
    return %c0_i32, %c0_i32_0 : i32, i32
  }
  func.func @transform_3(%arg0: i32) -> (i32, i32) {
    %c0_i32 = arith.constant 0 : i32
    %c0_i32_0 = arith.constant 0 : i32
    %c0_i32_1 = arith.constant 0 : i32
    return %c0_i32, %c0_i32_0 : i32, i32
  }
  func.func @transform_4(%arg0: i32) -> (i32, i32) {
    %c0_i32 = arith.constant 0 : i32
    %c0_i32_0 = arith.constant 0 : i32
    %c0_i32_1 = arith.constant 0 : i32
    return %c0_i32, %c0_i32_0 : i32, i32
  }
  func.func @transform_5(%arg0: i32) -> (i32, i32) {
    %c0_i32 = arith.constant 0 : i32
    %c0_i32_0 = arith.constant 0 : i32
    return %arg0, %c0_i32 : i32, i32
  }
  func.func @transform_6(%arg0: i32) -> (i32, i32) {
    %c0_i32 = arith.constant 0 : i32
    %c0_i32_0 = arith.constant 0 : i32
    return %arg0, %c0_i32 : i32, i32
  }
}

module attributes {stable_mosaic.version = 14 : i64} {
  func.func @_sim_body(%arg0: i32, %arg1: memref<128x512xf32, #tpu.memory_space<vmem>>, %arg2: memref<512x10240xf32, #tpu.memory_space<vmem>>, %arg3: memref<128x10240xf32, #tpu.memory_space<vmem>>) attributes {dimension_semantics = [#tpu.dimension_semantics<arbitrary>], iteration_bounds = array<i64: 80>, scalar_prefetch = 0 : i64, scratch_operands = 0 : i64, tpu.core_type = #tpu.core_type<tc>, window_params = [{transform_indices = @transform_0, window_bounds = array<i64: 128, 512>}, {pipeline_mode = #tpu.pipeline_mode<synchronous>, transform_indices = @transform_1, window_bounds = array<i64: 512, 10240>}, {transform_indices = @transform_2, window_bounds = array<i64: 128, 10240>}]} {
    %get3A = arith.constant 0 : index
    %get3A_0 = arith.constant 0 : index
    %get3A_1 = vector.load %arg1[%get3A, %get3A_0] : memref<128x512xf32, #tpu.memory_space<vmem>>, vector<128x512xf32>
    %get3A_2 = arith.constant 0 : index
    %get3A_3 = arith.constant 0 : index
    %get3A_4 = vector.load %arg2[%get3A_2, %get3A_3] : memref<512x10240xf32, #tpu.memory_space<vmem>>, vector<512x10240xf32>
    %dot_general3A = arith.constant dense<0.000000e+00> : vector<128x10240xf32>
    %dot_general3A_5 = tpu.matmul %get3A_1, %get3A_4, %dot_general3A {dimension_numbers = #tpu.dot_dimension_numbers<[1], [0], [0], [1], [0, 0, 1, 1], [], []>, transpose_lhs_hint = false} : vector<128x512xf32>, vector<512x10240xf32>, vector<128x10240xf32> -> vector<128x10240xf32>
    %swap3A = arith.constant 0 : index
    %swap3A_6 = arith.constant 0 : index
    %swap3A_7 = vector.load %arg3[%swap3A, %swap3A_6] : memref<128x10240xf32, #tpu.memory_space<vmem>>, vector<128x10240xf32>
    tpu.vector_store %arg3[%swap3A, %swap3A_6], %dot_general3A_5 {strides = array<i32>} : memref<128x10240xf32, #tpu.memory_space<vmem>>, vector<128x10240xf32>,
    return
  }
  func.func @transform_0(%arg0: i32) -> (i32, i32) {
    %c0_i32 = arith.constant 0 : i32
    %c0_i32_0 = arith.constant 0 : i32
    return %arg0, %c0_i32 : i32, i32
  }
  func.func @transform_1(%arg0: i32) -> (i32, i32) {
    %c0_i32 = arith.constant 0 : i32
    %c0_i32_0 = arith.constant 0 : i32
    %c0_i32_1 = arith.constant 0 : i32
    return %c0_i32, %c0_i32_0 : i32, i32
  }
  func.func @transform_2(%arg0: i32) -> (i32, i32) {
    %c0_i32 = arith.constant 0 : i32
    %c0_i32_0 = arith.constant 0 : i32
    return %arg0, %c0_i32 : i32, i32
  }
}

module attributes {stable_mosaic.version = 14 : i64} {
  func.func @_norm_body(%arg0: memref<32x10240xf32, #tpu.memory_space<vmem>>, %arg1: memref<1x10240xf32, #tpu.memory_space<vmem>>) attributes {dimension_semantics = [], scalar_prefetch = 0 : i64, scratch_operands = 0 : i64, tpu.core_type = #tpu.core_type<tc>} {
    %get3A = arith.constant 0 : index
    %get3A_0 = arith.constant 0 : index
    %get3A_1 = vector.load %arg0[%get3A, %get3A_0] : memref<32x10240xf32, #tpu.memory_space<vmem>>, vector<32x10240xf32>
    %reduce_sum3A = arith.constant dense<0.000000e+00> : vector<10240xf32>
    %reduce_sum3A_2 = vector.multi_reduction <add>, %get3A_1, %reduce_sum3A [0] : vector<32x10240xf32> to vector<10240xf32>
    %broadcast_in_dim3A = vector.shape_cast %reduce_sum3A_2 : vector<10240xf32> to vector<1x10240xf32>
    %rsqrt3A = math.rsqrt %broadcast_in_dim3A : vector<1x10240xf32>
    %swap3A = arith.constant 0 : index
    %swap3A_3 = arith.constant 0 : index
    %swap3A_4 = vector.load %arg1[%swap3A, %swap3A_3] : memref<1x10240xf32, #tpu.memory_space<vmem>>, vector<1x10240xf32>
    tpu.vector_store %arg1[%swap3A, %swap3A_3], %rsqrt3A {strides = array<i32>} : memref<1x10240xf32, #tpu.memory_space<vmem>>, vector<1x10240xf32>,
    return
  }
}

</mosaic_0001>

<sc_bundles>
// kernel: kernel.10.cloned.1.call-start
scs
__scs_entry_jumppad:
0x0: {  	(pc) =	sbr.rel $0x88, $3  }
0x1: {  	(tag) =	ssettag $0x0;
	lr =	simm.s32 $0x1  }
0x2: {  	[smem:$0x3F9C] =	sst lr;
	_ =	strace $0xD0000000  }
0x3: {  	_ = 	snop  }
0x4: {  	_ = 	snop  }
0x5: {  	_ = 	snop  }
0x6: {  	_ = 	snop  }
0x7: {  	_ = 	snop  }
__scs_overlays_trampoline_lowered:
0x8: {  	[smem:$0x3FAB] =	sst s0  }
0x9: {  	[smem:$0x3FAC] =	sst s1  }
0xa: {  	[smem:$0x3FAD] =	sst s2  }
0xb: {  	[smem:$0x3FAE] =	sst s3  }
0xc: {  	[smem:$0x3FAF] =	sst s4  }
0xd: {  	[smem:$0x3FB0] =	sst s5  }
0xe: {  	[smem:$0x3FB1] =	sst s6  }
0xf: {  	[smem:$0x3FB2] =	sst s7  }
0x10: {  	[smem:$0x3FB3] =	sst s8  }
0x11: {  	[smem:$0x3FB4] =	sst s9;
	s0 =	simm.s32 @!p0 $0x0  }
0x12: {  	s1 =	sld [smem:$0x3F9A];
	s0 =	simm.s32 @p0 $0x1  }
0x13: {  	[smem:$0x3FB5] =	sst s0;
	s0 =	simm.s32 @!p1 $0x0  }
0x14: {  	s2 =	sld [smem:$0x3F99];
	s0 =	simm.s32 @p1 $0x1  }
0x15: {  	[smem:$0x3FB6] =	sst s0;
	s0 =	simm.s32 @!p2 $0x0  }
0x16: {  	s3 =	sld [smem:$0x3FDB];
	s0 =	simm.s32 @p2 $0x1  }
0x17: {  	s4 =	simm.s32 $0x1BF5;
	[smem:$0x3FB8] =	sst s0  }
0x18: {  	s0 =	sld [smem:$0x3F9B];
	_ =	swait.ge [sflag:s4], $0x0  }
0x19: {  	s7 =	sld [smem:$0x3F9C]  }
0x1a: {  	s8 =	sadd.s32 $0xFFFFE003, lr  }
0x1b: {  	s9 =	sadd.s32 $0xFFFFFEF7, lr;
	s5 =	simm.s32 $0xFFFFFFFF;
	p2 =	slt.u32 s8, $0xFFFFF086  }
0x1c: {  	p1 =	slt.u32 s9, $0xF7A;
	s5 =	simm.s32 @!p2 $0x0  }
0x1d: {  	s5 =	simm.s32 @p1 $0x1;
	p0 =	seq.s32 s7, s2  }
0x1e: {  	s7 =	smul.u32 @!p0 $0xF7A, s2;
	p2 =	seq.s32 @!p0 s5, $0x0  }
0x1f: {  	s9 =	smul.u32 $0xF7A, s1;
	s8 =	simm.s32 @!p0 $0x1BF5;
	p2 =	por !p2, p0  }
0x20: {  	[sflag:s8] =	ssyncset.s32 @!p0 $0xFFFFF086;
	s6 =	sadd.s32 @!p0 s3, s7;
	s7 =	simm.s32 @!p0 $0x108  }
0x21: {  	s3 =	sadd.s32 s3, s9;
	s6 =	sadd.s32 @!p0 $0x88, s6;
	s7 =	simm.s32 @p2 $0x1082  }
0x22: {  	[simem:s7], [sflag:s8] =	dma.local @!p0 [hbm:s6], $0xF7A  }
0x23: {  	s9 =	sor.u32 $0xD0000000, s2;
	s6 =	simm.s32 $0x108;
	_ =	swait.ge @!p0 [sflag:s8], $0x0  }
0x24: {  	s3 =	sadd.s32 $0x88, s3;
	s6 =	simm.s32 @!p1 $0x1082;
	[sflag:s4] =	ssyncset.s32 $0xFFFFF086  }
0x25: {  	[simem:s6], [sflag:s4] =	dma.local [hbm:s3], $0xF7A  }
0x26: {  	[smem:$0x3F9C] =	sst s1;
	(tag) =	ssettag s2;
	_ =	strace s9  }
0x27: {  	s1 =	sld [smem:$0x3FAC]  }
0x28: {  	s2 =	sld [smem:$0x3FAD]  }
0x29: {  	s4 =	sld [smem:$0x3FAF]  }
0x2a: {  	p0 =	seq.s32 s5, $0x0;
	s5 =	sld [smem:$0x3FB0]  }
0x2b: {  	s6 =	sld [smem:$0x3FB1]  }
0x2c: {  	s7 =	sld [smem:$0x3FB2]  }
0x2d: {  	s3 =	simm.s32 $0x108;
	s8 =	sld [smem:$0x3FB3]  }
0x2e: {  	s3 =	simm.s32 @!p0 $0x1082;
	s9 =	sld [smem:$0x3FB4]  }
0x2f: {  	lr =	sadd.s32 s0, s3;
	s0 =	sld [smem:$0x3FAB]  }
0x30: {  	s3 =	sld [smem:$0x3FAE]  }
0x31: {  	[smem:$0x3FB7] =	sst s10  }
0x32: {  	s10 =	sld [smem:$0x3FB5];
	_ =	sdelay $0x3  }
0x33: {  	p0 =	seq.s32 s10, $0x1;
	s10 =	sld [smem:$0x3FB7];
	_ =	sdelay $0x3  }
0x34: {  	[smem:$0x3FB7] =	sst s10  }
0x35: {  	s10 =	sld [smem:$0x3FB6];
	_ =	sdelay $0x3  }
0x36: {  	p1 =	seq.s32 s10, $0x1;
	s10 =	sld [smem:$0x3FB7];
	_ =	sdelay $0x3  }
0x37: {  	[smem:$0x3FB7] =	sst s10  }
0x38: {  	s10 =	sld [smem:$0x3FB8]  }
0x39: {  	_ = 	snop;
	(pc) =	sbr.ind lr, $3  }
0x3a: {  	_ = 	snop  }
0x3b: {  	_ = 	snop  }
0x3c: {  	p2 =	seq.s32 s10, $0x1;
	s10 =	sld [smem:$0x3FB7]  }
0x3d: {  	_ =	shalt  }
0x3e: {  	_ =	shalt  }
0x3f: {  	_ =	shalt  }
0x40: {  	_ =	shalt  }
0x41: {  	_ =	shalt  }
0x42: {  	_ =	shalt  }
0x43: {  	_ =	shalt  }
0x44: {  	_ =	shalt  }
0x45: {  	_ =	shalt  }
0x46: {  	_ =	shalt  }
0x47: {  	_ =	shalt  }
0x48: {  	_ =	shalt  }
0x49: {  	_ =	shalt  }
0x4a: {  	_ =	shalt  }
0x4b: {  	_ =	shalt  }
0x4c: {  	_ =	shalt  }
0x4d: {  	_ =	shalt  }
0x4e: {  	_ =	shalt  }
0x4f: {  	_ =	shalt  }
0x50: {  	_ =	shalt  }
0x51: {  	_ =	shalt  }
0x52: {  	_ =	shalt  }
0x53: {  	_ =	shalt  }
0x54: {  	_ =	shalt  }
0x55: {  	_ =	shalt  }
0x56: {  	_ =	shalt  }
0x57: {  	_ =	shalt  }
0x58: {  	_ =	shalt  }
0x59: {  	_ =	shalt  }
0x5a: {  	_ =	shalt  }
0x5b: {  	_ =	shalt  }
0x5c: {  	_ =	shalt  }
0x5d: {  	_ =	shalt  }
0x5e: {  	_ =	shalt  }
0x5f: {  	_ =	shalt  }
0x60: {  	_ =	shalt  }
0x61: {  	_ =	shalt  }
0x62: {  	_ =	shalt  }
0x63: {  	_ =	shalt  }
0x64: {  	_ =	shalt  }
0x65: {  	_ =	shalt  }
0x66: {  	_ =	shalt  }
0x67: {  	_ =	shalt  }
0x68: {  	_ =	shalt  }
0x69: {  	_ =	shalt  }
0x6a: {  	_ =	shalt  }
0x6b: {  	_ =	shalt  }
0x6c: {  	_ =	shalt  }
0x6d: {  	_ =	shalt  }
0x6e: {  	_ =	shalt  }
0x6f: {  	_ =	shalt  }
0x70: {  	_ =	shalt  }
0x71: {  	_ =	shalt  }
0x72: {  	_ =	shalt  }
0x73: {  	_ =	shalt  }
0x74: {  	_ =	shalt  }
0x75: {  	_ =	shalt  }
0x76: {  	_ =	shalt  }
0x77: {  	_ =	shalt  }
0x78: {  	_ =	shalt  }
0x79: {  	_ =	shalt  }
0x7a: {  	_ =	shalt  }
0x7b: {  	_ =	shalt  }
0x7c: {  	_ =	shalt  }
0x7d: {  	_ =	shalt  }
0x7e: {  	_ =	shalt  }
0x7f: {  	_ =	shalt  }
0x80: {  	_ =	shalt  }
0x81: {  	_ =	shalt  }
0x82: {  	_ =	shalt  }
0x83: {  	_ =	shalt  }
0x84: {  	_ =	shalt  }
0x85: {  	_ =	shalt  }
0x86: {  	_ =	shalt  }
0x87: {  	_ =	shalt  }
.Lfunc_end0:
.L_simem_size_0:
called_computation.1_lowered:
.L_overlay_start_0:
0x88: {  	s2 =	sld [smem:$0x3FD9]  }
0x89: {  	s3 =	sld [smem:$0x3FFE];
	_ =	sdelay $0x1  }
0x8a: {  	s1 =	srdreg.scid  }
0x8b: {  	s0 =	sand.u32 $0x1, s1  }
0x8c: {  	s14 =	sshll.u32 s0, $0xA;
	s2 =	sadd.s32 s3, s2  }
0x8d: {  	s2 =	sadd.s32 s2, s14  }
0x8e: {  	[smem:$0x3FC3] =	sst s2  }
0x8f: {  	_ = 	snop  }
0x90: {  	s2 =	sld [smem:$0x3FD0];
	_ =	sdelay $0x2  }
0x91: {  	s15 =	simm.s32 $0xA;
	s4 =	simm.s32 $0x10  }
0x92: {  	[smem:s4], [sflag:s15] =	dma.local [hbm:s2], $0x1  }
0x93: {  	_ =	swait.eq [sflag:s15], $0x1  }
0x94: {  	[sflag:s15] =	ssyncset.done $0x0  }
0x95: {  	[sflag:s15] =	ssyncadd.s32 $0xFFFFFFFF  }
0x96: {  	s16 =	sld [smem:$0x11];
	(tm) =	ssettm $0x1  }
0x97: {  	s17 =	sld [smem:$0x3FFB];
	_ =	sdelay $0x3  }
0x98: {  	_ =	strace s17  }
0x99: {  	s3 =	sld [smem:$0x3FFC];
	_ =	sdelay $0x3  }
0x9a: {  	_ =	strace s3  }
0x9b: {  	s3 =	sld [smem:$0x3FFD];
	_ =	sdelay $0x3  }
0x9c: {  	_ =	strace s3  }
0x9d: {  	_ =	strace $0x8FFFFFFF  }
0x9e: {  	s18 =	sld [smem:$0x3FDB];
	_ =	sdelay $0x1  }
0x9f: {  	s19 =	simm.s32 $_scs_section_size  }
0xa0: {  	s5 =	simm.s32 $_size__tile_overlayer_lowered;
	s6 =	simm.s32 $_tile_overlayer_lowered  }
0xa1: {  	s22 =	simm.s32 $0x1BFF;
	s21 =	sshll.u32 s6, $0x1;
	s3 =	sadd.s32 s19, s18  }
0xa2: {  	s7 =	simm.s32 $0x0;
	s20 =	sshll.u32 s5, $0x1;
	s5 =	sadd.s32 s21, s3  }
0xa3: {  	[timem:s7], [sflag:s22] =	dma.local [hbm:s5], s20  }
0xa4: {  	_ =	swait.ge [sflag:s22], s20  }
0xa5: {  	s4 =	ssub.s32 $0x0, s20;
	[sflag:s22] =	ssyncset.done $0x0  }
0xa6: {  	[sflag:s22] =	ssyncadd.s32 s4;
	_ =	sdelay $0x1  }
0xa7: {  	s23 =	simm.s32 $0x1B8B  }
0xa8: {  	_ =	swait.ge [sflag:s23], $0x1  }
0xa9: {  	[sflag:s23] =	ssyncset.done $0x0  }
0xaa: {  	s25 =	simm.s32 $0x1B8E;
	s24 =	sld [smem:$0x3FFE];
	[sflag:s23] =	ssyncadd.s32 $0xFFFFFFFF  }
0xab: {  	s26 =	simm.s32 $execute0_lowered;
	[smem:$0x3FD2] =	sst s25  }
0xac: {  	s5 =	sshll.u32 s26, $0x1;
	_ =	strace $0x80000049;
	[dreg:$0x1] =	wrdreg $0xFFFFFFFF  }
0xad: {  	s28 =	simm.s32 $_size_execute0_lowered;
	s3 =	sadd.s32 s3, s5;
	[dreg:$0x0] =	wrdreg $0x0  }
0xae: {  	s5 =	sshll.u32 s28, $0x1;
	[dreg:$0x2] =	wrdreg s3  }
0xaf: {  	[dreg:$0x3] =	wrdreg s5  }
0xb0: {  	[dreg:$0x4] =	wrdreg $0xC0  }
0xb1: {  	_ =	task [dreg:s7], $0x5FFFF  }
0xb2: {  	[dreg:$0x1] =	wrdreg $0xFFFFFFFF  }
0xb3: {  	[dreg:$0x0] =	wrdreg $0x60  }
0xb4: {  	[dreg:$0x2] =	wrdreg s24  }
0xb5: {  	[dreg:$0x3] =	wrdreg s16  }
0xb6: {  	[dreg:$0x4] =	wrdreg $0x9  }
0xb7: {  	_ =	task.clear_ibuf [dreg:s7], $0x5FFFF;
	_ =	strace $0x90000049  }
0xb8: {  	s29 =	simm.s32 $0x9;
	_ =	strace $0x8000004B  }
0xb9: {  	_ =	swait.ge [sflag:s29], $0x1  }
0xba: {  	[sflag:s29] =	ssyncadd.s32 $0xFFFFFFFF  }
0xbb: {  	_ =	strace $0x9000004B  }
0xbc: {  	_ =	sfence  }
0xbd: {  	s30 =	sld [smem:$0x0];
	_ =	sdelay $0x2  }
0xbe: {  	s31 =	sshll.u32 s1, $0xD;
	s1 =	sshrl.u32 s1, $0x2  }
0xbf: {  	s3 =	sand.u32 $0x4000, s31;
	s1 =	sadd.s32 s1, s30  }
0xc0: {  	s0 =	sor.u32 s3, s0;
	s1 =	sshll.u32 s1, $0x11  }
0xc1: {  	s0 =	sor.u32 s1, s0  }
0xc2: {  	s0 =	sadd.s32 $0x8F2B, s0  }
0xc3: {  	[sflag:s0] =	ssyncadd.remote.s32 $0x1  }
0xc4: {  	_ =	sfence.sel $0xFFFF  }
0xc5: {  	[dreg:$0x0] =	wrdreg $0xFFFFFFFF;
	(pc) =	sbr.abs _section_cstart, $3  }
0xc6: {  	[dreg:$0x1] =	wrdreg $0xFFFFFFFF  }
0xc7: {  	_ =	task.clear_ibuf [dreg:s7], $0x2FFFF;
	_ =	strace $0x9FFFFFFF  }
0xc8: {  	(tm) =	ssettm $0x7FFFFFFF  }
0xc9: {  	_ =	shalt  }
tec
execute0_lowered:
.L_overlay_start_1:
0x0: {  	(tag) =	ssettag $0x1  }
0x1: {  	s3 =	rddreg [dreg:$0x0];
	s1 =	srdreg.scid  }
0x2: {  	s0 =	stileid.u32;
	s7 =	rddreg [dreg:$0x1]  }
0x3: {  	s2 =	simm.s32 $0x0;
	s10 =	simm.s32 $0x1;
	s11 =	simm.s32 $0x2880  }
0x4: {  	s12 =	simm.s32 $0x5100;
	s4 =	sand.u32 $0x1, s1;
	s5 =	sshll.u32 s0, $0x1  }
0x5: {  	s13 =	simm.s32 $0xA180;
	s14 =	simm.s32 $0x0;
	s5 =	sor.u32 s4, s5  }
0x6: {  	[smem:$0x7FF] =	sst s2;
	s4 =	ssub.s32 $0x2, s4;
	s8 =	smul.u32 $0x50A, s5  }
0x7: {  	s1 =	rddreg [dreg:$0x2];
	_ =	strace $0x8000004A;
	s31 =	sshrl.u32 s4, $0x1  }
0x8: {  	s9 =	ssub.s32 s4, s31;
	s6 =	sadd.s32 s8, s3;
	s3 =	sadd.s32 $0x21600, s3  }
0x9: {  	s7 =	sadd.s32 s7, s8;
	s8 =	smax.u32 s9, $0x1;
	s9 =	simm.s32 $0x7980  }
0xa: {  	s4 =	sadd.s32 $0x17400, s6;
	s5 =	sadd.s32 $0x3000, s6;
	s6 =	sadd.s32 $0xD200, s6  }
.LBB2_1:
0xb: {  	[tilespmem:s9], [sflag:$0x1] =	stream.linear.gather [hbm4b:s3+s2], $0x2800, $0x38;
	[tilespmem:$0xCA00] =	vst v63  }
0xc: {  	_ =	swait.ge [sflag:s10], $0x2800  }
0xd: {  	[sflag:s10] =	ssyncset.done $0x0  }
0xe: {  	[sflag:s10] =	ssyncadd.s32 $0xFFFFD800  }
0xf: {  	[tilespmem:s2], [sflag:$0x1] =	stream.linear.gather [hbm4b:s4+s2], $0x2850, $0x38;
	[tilespmem:$0xCA00] =	vst v63  }
0x10: {  	_ =	swait.ge [sflag:s10], $0x2850  }
0x11: {  	[sflag:s10] =	ssyncset.done $0x0  }
0x12: {  	[sflag:s10] =	ssyncadd.s32 $0xFFFFD7B0  }
0x13: {  	[tilespmem:s11], [sflag:$0x1] =	stream.linear.gather [hbm4b:s5+s2], $0x2850, $0x38;
	[tilespmem:$0xCA00] =	vst v63  }
0x14: {  	_ =	swait.ge [sflag:s10], $0x2850  }
0x15: {  	[sflag:s10] =	ssyncset.done $0x0  }
0x16: {  	[sflag:s10] =	ssyncadd.s32 $0xFFFFD7B0  }
0x17: {  	[tilespmem:s12], [sflag:$0x1] =	stream.linear.gather [hbm4b:s6+s2], $0x2850, $0x38;
	[tilespmem:$0xCA00] =	vst v63  }
0x18: {  	_ =	swait.ge [sflag:s10], $0x2850  }
0x19: {  	[sflag:s10] =	ssyncset.done $0x0  }
0x1a: {  	s15 =	simm.s32 $0x0;
	[sflag:s10] =	ssyncadd.s32 $0xFFFFD7B0  }
0x1b: {  	v0 =	vld [tilespmem:s15+$0x5100]  }
0x1c: {  	v2 =	vld [tilespmem:s15+$0x2880];
	_ =	sdelay $0x5  }
0x1d: {  	v1 =	vld [tilespmem:s15+$0x0]  }
0x1e: {  	v0 =	vld.idx.msk [tilespmem:v0+s9+$0x0], $0xffff  }
0x1f: {  	s16 =	simm.s32 $0x10;
	s17 =	simm.s32 $0x80;
	v2 =	vld.idx.msk [tilespmem:v2+s9+$0x0], $0xffff  }
.LBB2_2:
0x20: {  	p0 =	sne.s32 s17, $0xA100;
	v3 =	vld [tilespmem:s16+$0x5100];
	_ =	sdelay $0x1  }
0x21: {  	v4 =	vld [tilespmem:s16+$0x2880]  }
0x22: {  	v0 =	vmul.f32 v0, v1;
	_ =	sdelay $0x1  }
0x23: {  	v0 =	vmul.f32 v2, v0  }
.Ltmp0:
0x24: {  	(pc) =	sbr.rel @p0 .LBB2_2-.Ltmp0, $4  }
0x25: {  	[tilespmem:s15+$0xA180] =	vst v0;
	s15 =	smov.u32 s16  }
0x26: {  	v0 =	vld.idx.msk [tilespmem:v3+s9+$0x0], $0xffff  }
0x27: {  	v1 =	vld [tilespmem:s15+$0x0]  }
0x28: {  	s16 =	sshra.s32 s17, $0x2;
	s17 =	sadd.s32 $0x40, s17;
	v2 =	vld.idx.msk [tilespmem:v4+s9+$0x0], $0xffff  }
0x29: {  	v3 =	vld [tilespmem:s16+$0x5100];
	_ =	sdelay $0x2  }
0x2a: {  	v4 =	vld [tilespmem:s16+$0x2880];
	v0 =	vmul.f32 v0, v1;
	_ =	sdelay $0x1  }
0x2b: {  	v0 =	vmul.f32 v2, v0;
	_ =	sdelay $0x1  }
0x2c: {  	[tilespmem:s15+$0xA180] =	vst v0  }
0x2d: {  	v0 =	vld.idx.msk [tilespmem:v3+s9+$0x0], $0xffff  }
0x2e: {  	v62 =	vld [tilespmem:s16+$0x0];
	_ =	sdelay $0x1  }
0x2f: {  	v63 =	vld.idx.msk [tilespmem:v4+s9+$0x0], $0xffff;
	_ =	sdelay $0x2  }
0x30: {  	v0 =	vmul.f32 v0, v62;
	_ =	sdelay $0x1  }
0x31: {  	s14 =	sadd.s32 $0x1, s14;
	v0 =	vmul.f32 v63, v0  }
0x32: {  	p0 =	sne.s32 s14, s8  }
.Ltmp1:
0x33: {  	[tilespmem:s16+$0xA180] =	vst v0;
	(pc) =	sbr.rel @p0 .LBB2_1-.Ltmp1, $4  }
0x34: {  	[hbm4b:s7+s2] =	stream.linear.scatter [tilespmem:s13], [sflag:$0x1], $0x2850, $0x38;
	[tilespmem:$0xCA00] =	vst v63  }
0x35: {  	_ =	swait.ge [sflag:s10], $0x2850  }
0x36: {  	[sflag:s10] =	ssyncset.done $0x0  }
0x37: {  	[sflag:s10] =	ssyncadd.s32 $0xFFFFD7B0  }
0x38: {  	_ =	sfence.sel $0x180000  }
0x39: {  	[bflag:$0x0] =	sbarrier.arrive $0xFFFF  }
0x3a: {  	p0 =	sne.s32 s0, $0x0;
	_ =	strace $0x9000004A  }
0x3b: {  	s0 =	sadd.s32 @!p0 $0x100000, s1;
	[bflag:$0x2] =	sbarrier.arrive $0xFFFF  }
0x3c: {  	[sflag:s0] =	ssyncadd.tile.s32 @!p0 $0x1;
	_ =	shalt  }
.Lfunc_end2:
_tile_overlayer_lowered:
.L_overlay_start_2:
0x3d: {  	(tag) =	ssettag $0x2  }
0x3e: {  	s0 =	rddreg [dreg:$0x0];
	s2 =	stileid.u32  }
0x3f: {  	s1 =	rddreg [dreg:$0x1];
	p0 =	sne.s32 s2, $0x0  }
0x40: {  	s3 =	rddreg [dreg:$0x2];
	[bflag:$0x3] =	sbarrier.arrive $0xFFFF;
	s2 =	simm.s32 @!p0 $0x1C01  }
0x41: {  	[timem:s3], [sflag:s2] =	dma.local @!p0 [hbm:s0], s1  }
0x42: {  	s0 =	simm.s32 @!p0 $0x1  }
0x43: {  	_ =	swait.ge @!p0 [sflag:s0], s1  }
0x44: {  	s1 =	ssub.s32 @!p0 $0x0, s1;
	[sflag:s0] =	ssyncset.done @!p0 $0x0  }
0x45: {  	[sflag:s0] =	ssyncadd.s32 @!p0 s1  }
0x46: {  	[bflag:$0x3] =	sbarrier.arrive $0xFFFF  }
0x47: {  	_ =	shalt  }

// kernel: kernel.7.cloned.1.call-start
scs
__scs_entry_jumppad:
0x0: {  	(pc) =	sbr.rel $0x88, $3  }
0x1: {  	(tag) =	ssettag $0x0;
	lr =	simm.s32 $0x1  }
0x2: {  	[smem:$0x3F9C] =	sst lr;
	_ =	strace $0xD0000000  }
0x3: {  	_ = 	snop  }
0x4: {  	_ = 	snop  }
0x5: {  	_ = 	snop  }
0x6: {  	_ = 	snop  }
0x7: {  	_ = 	snop  }
__scs_overlays_trampoline_lowered:
0x8: {  	[smem:$0x3FAB] =	sst s0  }
0x9: {  	[smem:$0x3FAC] =	sst s1  }
0xa: {  	[smem:$0x3FAD] =	sst s2  }
0xb: {  	[smem:$0x3FAE] =	sst s3  }
0xc: {  	[smem:$0x3FAF] =	sst s4  }
0xd: {  	[smem:$0x3FB0] =	sst s5  }
0xe: {  	[smem:$0x3FB1] =	sst s6  }
0xf: {  	[smem:$0x3FB2] =	sst s7  }
0x10: {  	[smem:$0x3FB3] =	sst s8  }
0x11: {  	[smem:$0x3FB4] =	sst s9;
	s0 =	simm.s32 @!p0 $0x0  }
0x12: {  	s1 =	sld [smem:$0x3F9A];
	s0 =	simm.s32 @p0 $0x1  }
0x13: {  	[smem:$0x3FB5] =	sst s0;
	s0 =	simm.s32 @!p1 $0x0  }
0x14: {  	s2 =	sld [smem:$0x3F99];
	s0 =	simm.s32 @p1 $0x1  }
0x15: {  	[smem:$0x3FB6] =	sst s0;
	s0 =	simm.s32 @!p2 $0x0  }
0x16: {  	s3 =	sld [smem:$0x3FDB];
	s0 =	simm.s32 @p2 $0x1  }
0x17: {  	s4 =	simm.s32 $0x1BF5;
	[smem:$0x3FB8] =	sst s0  }
0x18: {  	s0 =	sld [smem:$0x3F9B];
	_ =	swait.ge [sflag:s4], $0x0  }
0x19: {  	s7 =	sld [smem:$0x3F9C]  }
0x1a: {  	s8 =	sadd.s32 $0xFFFFE003, lr  }
0x1b: {  	s9 =	sadd.s32 $0xFFFFFEF7, lr;
	s5 =	simm.s32 $0xFFFFFFFF;
	p2 =	slt.u32 s8, $0xFFFFF086  }
0x1c: {  	p1 =	slt.u32 s9, $0xF7A;
	s5 =	simm.s32 @!p2 $0x0  }
0x1d: {  	s5 =	simm.s32 @p1 $0x1;
	p0 =	seq.s32 s7, s2  }
0x1e: {  	s7 =	smul.u32 @!p0 $0xF7A, s2;
	p2 =	seq.s32 @!p0 s5, $0x0  }
0x1f: {  	s9 =	smul.u32 $0xF7A, s1;
	s8 =	simm.s32 @!p0 $0x1BF5;
	p2 =	por !p2, p0  }
0x20: {  	[sflag:s8] =	ssyncset.s32 @!p0 $0xFFFFF086;
	s6 =	sadd.s32 @!p0 s3, s7;
	s7 =	simm.s32 @!p0 $0x108  }
0x21: {  	s3 =	sadd.s32 s3, s9;
	s6 =	sadd.s32 @!p0 $0x88, s6;
	s7 =	simm.s32 @p2 $0x1082  }
0x22: {  	[simem:s7], [sflag:s8] =	dma.local @!p0 [hbm:s6], $0xF7A  }
0x23: {  	s9 =	sor.u32 $0xD0000000, s2;
	s6 =	simm.s32 $0x108;
	_ =	swait.ge @!p0 [sflag:s8], $0x0  }
0x24: {  	s3 =	sadd.s32 $0x88, s3;
	s6 =	simm.s32 @!p1 $0x1082;
	[sflag:s4] =	ssyncset.s32 $0xFFFFF086  }
0x25: {  	[simem:s6], [sflag:s4] =	dma.local [hbm:s3], $0xF7A  }
0x26: {  	[smem:$0x3F9C] =	sst s1;
	(tag) =	ssettag s2;
	_ =	strace s9  }
0x27: {  	s1 =	sld [smem:$0x3FAC]  }
0x28: {  	s2 =	sld [smem:$0x3FAD]  }
0x29: {  	s4 =	sld [smem:$0x3FAF]  }
0x2a: {  	p0 =	seq.s32 s5, $0x0;
	s5 =	sld [smem:$0x3FB0]  }
0x2b: {  	s6 =	sld [smem:$0x3FB1]  }
0x2c: {  	s7 =	sld [smem:$0x3FB2]  }
0x2d: {  	s3 =	simm.s32 $0x108;
	s8 =	sld [smem:$0x3FB3]  }
0x2e: {  	s3 =	simm.s32 @!p0 $0x1082;
	s9 =	sld [smem:$0x3FB4]  }
0x2f: {  	lr =	sadd.s32 s0, s3;
	s0 =	sld [smem:$0x3FAB]  }
0x30: {  	s3 =	sld [smem:$0x3FAE]  }
0x31: {  	[smem:$0x3FB7] =	sst s10  }
0x32: {  	s10 =	sld [smem:$0x3FB5];
	_ =	sdelay $0x3  }
0x33: {  	p0 =	seq.s32 s10, $0x1;
	s10 =	sld [smem:$0x3FB7];
	_ =	sdelay $0x3  }
0x34: {  	[smem:$0x3FB7] =	sst s10  }
0x35: {  	s10 =	sld [smem:$0x3FB6];
	_ =	sdelay $0x3  }
0x36: {  	p1 =	seq.s32 s10, $0x1;
	s10 =	sld [smem:$0x3FB7];
	_ =	sdelay $0x3  }
0x37: {  	[smem:$0x3FB7] =	sst s10  }
0x38: {  	s10 =	sld [smem:$0x3FB8]  }
0x39: {  	_ = 	snop;
	(pc) =	sbr.ind lr, $3  }
0x3a: {  	_ = 	snop  }
0x3b: {  	_ = 	snop  }
0x3c: {  	p2 =	seq.s32 s10, $0x1;
	s10 =	sld [smem:$0x3FB7]  }
0x3d: {  	_ =	shalt  }
0x3e: {  	_ =	shalt  }
0x3f: {  	_ =	shalt  }
0x40: {  	_ =	shalt  }
0x41: {  	_ =	shalt  }
0x42: {  	_ =	shalt  }
0x43: {  	_ =	shalt  }
0x44: {  	_ =	shalt  }
0x45: {  	_ =	shalt  }
0x46: {  	_ =	shalt  }
0x47: {  	_ =	shalt  }
0x48: {  	_ =	shalt  }
0x49: {  	_ =	shalt  }
0x4a: {  	_ =	shalt  }
0x4b: {  	_ =	shalt  }
0x4c: {  	_ =	shalt  }
0x4d: {  	_ =	shalt  }
0x4e: {  	_ =	shalt  }
0x4f: {  	_ =	shalt  }
0x50: {  	_ =	shalt  }
0x51: {  	_ =	shalt  }
0x52: {  	_ =	shalt  }
0x53: {  	_ =	shalt  }
0x54: {  	_ =	shalt  }
0x55: {  	_ =	shalt  }
0x56: {  	_ =	shalt  }
0x57: {  	_ =	shalt  }
0x58: {  	_ =	shalt  }
0x59: {  	_ =	shalt  }
0x5a: {  	_ =	shalt  }
0x5b: {  	_ =	shalt  }
0x5c: {  	_ =	shalt  }
0x5d: {  	_ =	shalt  }
0x5e: {  	_ =	shalt  }
0x5f: {  	_ =	shalt  }
0x60: {  	_ =	shalt  }
0x61: {  	_ =	shalt  }
0x62: {  	_ =	shalt  }
0x63: {  	_ =	shalt  }
0x64: {  	_ =	shalt  }
0x65: {  	_ =	shalt  }
0x66: {  	_ =	shalt  }
0x67: {  	_ =	shalt  }
0x68: {  	_ =	shalt  }
0x69: {  	_ =	shalt  }
0x6a: {  	_ =	shalt  }
0x6b: {  	_ =	shalt  }
0x6c: {  	_ =	shalt  }
0x6d: {  	_ =	shalt  }
0x6e: {  	_ =	shalt  }
0x6f: {  	_ =	shalt  }
0x70: {  	_ =	shalt  }
0x71: {  	_ =	shalt  }
0x72: {  	_ =	shalt  }
0x73: {  	_ =	shalt  }
0x74: {  	_ =	shalt  }
0x75: {  	_ =	shalt  }
0x76: {  	_ =	shalt  }
0x77: {  	_ =	shalt  }
0x78: {  	_ =	shalt  }
0x79: {  	_ =	shalt  }
0x7a: {  	_ =	shalt  }
0x7b: {  	_ =	shalt  }
0x7c: {  	_ =	shalt  }
0x7d: {  	_ =	shalt  }
0x7e: {  	_ =	shalt  }
0x7f: {  	_ =	shalt  }
0x80: {  	_ =	shalt  }
0x81: {  	_ =	shalt  }
0x82: {  	_ =	shalt  }
0x83: {  	_ =	shalt  }
0x84: {  	_ =	shalt  }
0x85: {  	_ =	shalt  }
0x86: {  	_ =	shalt  }
0x87: {  	_ =	shalt  }
.Lfunc_end0:
.L_simem_size_0:
called_computation_lowered:
.L_overlay_start_0:
0x88: {  	s2 =	sld [smem:$0x3FD9]  }
0x89: {  	s3 =	sld [smem:$0x3FFE];
	_ =	sdelay $0x1  }
0x8a: {  	s1 =	srdreg.scid  }
0x8b: {  	s0 =	sand.u32 $0x1, s1  }
0x8c: {  	s14 =	sshll.u32 s0, $0xA;
	s2 =	sadd.s32 s3, s2  }
0x8d: {  	s2 =	sadd.s32 s2, s14  }
0x8e: {  	[smem:$0x3FC3] =	sst s2  }
0x8f: {  	_ = 	snop  }
0x90: {  	s2 =	sld [smem:$0x3FD0];
	_ =	sdelay $0x2  }
0x91: {  	s15 =	simm.s32 $0xA;
	s4 =	simm.s32 $0x10  }
0x92: {  	[smem:s4], [sflag:s15] =	dma.local [hbm:s2], $0x1  }
0x93: {  	_ =	swait.eq [sflag:s15], $0x1  }
0x94: {  	s16 =	sld [smem:$0x10];
	[sflag:s15] =	ssyncset.done $0x0  }
0x95: {  	s17 =	sld [smem:$0x11];
	[sflag:s15] =	ssyncadd.s32 $0xFFFFFFFF  }
0x96: {  	s18 =	sld [smem:$0x12];
	(tm) =	ssettm $0x1  }
0x97: {  	s5 =	sld [smem:$0x3FFB];
	_ =	sdelay $0x3  }
0x98: {  	_ =	strace s5  }
0x99: {  	s5 =	sld [smem:$0x3FFC];
	_ =	sdelay $0x3  }
0x9a: {  	_ =	strace s5  }
0x9b: {  	s5 =	sld [smem:$0x3FFD];
	_ =	sdelay $0x3  }
0x9c: {  	_ =	strace s5  }
0x9d: {  	_ =	strace $0x8FFFFFFF  }
0x9e: {  	s19 =	sld [smem:$0x3FDB];
	_ =	sdelay $0x1  }
0x9f: {  	s6 =	simm.s32 $_scs_section_size  }
0xa0: {  	s7 =	simm.s32 $_size__tile_overlayer_lowered;
	s8 =	simm.s32 $_tile_overlayer_lowered  }
0xa1: {  	s22 =	simm.s32 $0x1BFF;
	s21 =	sshll.u32 s8, $0x1;
	s5 =	sadd.s32 s6, s19  }
0xa2: {  	s9 =	simm.s32 $0x0;
	s20 =	sshll.u32 s7, $0x1;
	s7 =	sadd.s32 s21, s5  }
0xa3: {  	[timem:s9], [sflag:s22] =	dma.local [hbm:s7], s20  }
0xa4: {  	_ =	swait.ge [sflag:s22], s20  }
0xa5: {  	s6 =	ssub.s32 $0x0, s20;
	[sflag:s22] =	ssyncset.done $0x0  }
0xa6: {  	[sflag:s22] =	ssyncadd.s32 s6;
	_ =	sdelay $0x1  }
0xa7: {  	s23 =	simm.s32 $0x1B8B  }
0xa8: {  	_ =	swait.ge [sflag:s23], $0x1  }
0xa9: {  	[sflag:s23] =	ssyncset.done $0x0  }
0xaa: {  	s25 =	simm.s32 $0x1B8E;
	s24 =	sld [smem:$0x3FFE];
	[sflag:s23] =	ssyncadd.s32 $0xFFFFFFFF  }
0xab: {  	s26 =	simm.s32 $execute0_lowered;
	[smem:$0x3FD2] =	sst s25  }
0xac: {  	s7 =	sshll.u32 s26, $0x1;
	_ =	strace $0x80000046;
	[dreg:$0x1] =	wrdreg $0xFFFFFFFF  }
0xad: {  	s28 =	simm.s32 $_size_execute0_lowered;
	s5 =	sadd.s32 s5, s7;
	[dreg:$0x0] =	wrdreg $0x0  }
0xae: {  	s7 =	sshll.u32 s28, $0x1;
	[dreg:$0x2] =	wrdreg s5  }
0xaf: {  	[dreg:$0x3] =	wrdreg s7  }
0xb0: {  	[dreg:$0x4] =	wrdreg $0xC0  }
0xb1: {  	_ =	task [dreg:s9], $0x5FFFF  }
0xb2: {  	[dreg:$0x1] =	wrdreg $0xFFFFFFFF  }
0xb3: {  	[dreg:$0x0] =	wrdreg $0x60  }
0xb4: {  	[dreg:$0x2] =	wrdreg s24  }
0xb5: {  	[dreg:$0x3] =	wrdreg s16  }
0xb6: {  	[dreg:$0x4] =	wrdreg s18  }
0xb7: {  	[dreg:$0x5] =	wrdreg s17  }
0xb8: {  	[dreg:$0x6] =	wrdreg $0x9  }
0xb9: {  	_ =	task.clear_ibuf [dreg:s9], $0x7FFFF;
	_ =	strace $0x90000046  }
0xba: {  	s29 =	simm.s32 $0x9;
	_ =	strace $0x80000048  }
0xbb: {  	_ =	swait.ge [sflag:s29], $0x1  }
0xbc: {  	[sflag:s29] =	ssyncadd.s32 $0xFFFFFFFF  }
0xbd: {  	_ =	strace $0x90000048  }
0xbe: {  	_ =	sfence  }
0xbf: {  	s30 =	sld [smem:$0x0];
	_ =	sdelay $0x2  }
0xc0: {  	s31 =	sshll.u32 s1, $0xD;
	s1 =	sshrl.u32 s1, $0x2  }
0xc1: {  	s3 =	sand.u32 $0x4000, s31;
	s1 =	sadd.s32 s1, s30  }
0xc2: {  	s0 =	sor.u32 s3, s0;
	s1 =	sshll.u32 s1, $0x11  }
0xc3: {  	s0 =	sor.u32 s1, s0  }
0xc4: {  	s0 =	sadd.s32 $0x8F2B, s0  }
0xc5: {  	[sflag:s0] =	ssyncadd.remote.s32 $0x1  }
0xc6: {  	_ =	sfence.sel $0xFFFF  }
0xc7: {  	[dreg:$0x0] =	wrdreg $0xFFFFFFFF;
	(pc) =	sbr.abs _section_cstart, $3  }
0xc8: {  	[dreg:$0x1] =	wrdreg $0xFFFFFFFF  }
0xc9: {  	_ =	task.clear_ibuf [dreg:s9], $0x2FFFF;
	_ =	strace $0x9FFFFFFF  }
0xca: {  	(tm) =	ssettm $0x7FFFFFFF  }
0xcb: {  	_ =	shalt  }
tec
execute0_lowered:
.L_overlay_start_1:
0x0: {  	(tag) =	ssettag $0x1  }
0x1: {  	s0 =	rddreg [dreg:$0x0]  }
0x2: {  	s5 =	rddreg [dreg:$0x1]  }
0x3: {  	s6 =	rddreg [dreg:$0x2]  }
0x4: {  	s7 =	rddreg [dreg:$0x3];
	s2 =	simm.s32 $0x0;
	s3 =	srdreg.scid  }
0x5: {  	s1 =	stileid.u32;
	s12 =	simm.s32 $0xA080;
	s13 =	simm.s32 $0xDC80  }
0x6: {  	s14 =	simm.s32 $0x7800;
	s15 =	simm.s32 $0x0;
	[smem:$0x7FF] =	sst s2  }
0x7: {  	s4 =	sand.u32 $0x1, s3;
	s8 =	sshll.u32 s1, $0x1;
	s30 =	sshrl.u32 s1, $0x2  }
0x8: {  	s3 =	sadd.s32 $0x1E3000, s0;
	s29 =	sor.u32 s4, s8;
	s8 =	smul.u32 $0x14000, s30  }
0x9: {  	_ =	strace $0x80000047;
	s4 =	ssub.s32 $0x2, s4;
	s11 =	smul.u32 $0x780, s29  }
.Ltmp0:
0xa: {  	s9 =	sshll.u32 s29, $0x7;
	s10 =	sshrl.u32 s4, $0x1;
	(pc) =	sbr.rel .LBB2_1-.Ltmp0, $4  }
0xb: {  	s9 =	sand.u32 $0x380, s9;
	s10 =	ssub.s32 s4, s10;
	s4 =	smul.u32 $0x140, s29  }
0xc: {  	s31 =	sor.u32 s8, s9;
	s5 =	sadd.s32 s5, s11;
	s6 =	sadd.s32 s6, s11  }
0xd: {  	v2 =	vlaneseq.u32;
	s8 =	smax.u32 s10, $0x1;
	s9 =	simm.s32 $0x80;
	s0 =	sshrl.u32 s31, $0x3  }
0xe: {  	v0 =	vimm.f32 $0.0e+00;
	v1 =	vimm.f32 $-Inf;
	v2 =	vor.u32 $0x2800, v2;
	s10 =	simm.s32 $0x400;
	s11 =	simm.s32 $0x1;
	s7 =	sadd.s32 s7, s0  }
.LBB2_32:
0xf: {  	[hbm4b:s5+s2] =	stream.linear.scatter [tilespmem:s12], [sflag:$0x1], $0x3C00, $0x38;
	[tilespmem:$0x11880] =	vst v63  }
0x10: {  	_ =	swait.ge [sflag:s11], $0x3C00  }
0x11: {  	[sflag:s11] =	ssyncset.done $0x0  }
0x12: {  	[sflag:s11] =	ssyncadd.s32 $0xFFFFC400  }
0x13: {  	[hbm4b:s6+s2] =	stream.linear.scatter [tilespmem:s13], [sflag:$0x1], $0x3C00, $0x38;
	[tilespmem:$0x11880] =	vst v63  }
0x14: {  	s15 =	sadd.s32 $0x1, s15;
	_ =	swait.ge [sflag:s11], $0x3C00  }
0x15: {  	p0 =	sne.s32 s15, s8;
	[sflag:s11] =	ssyncset.done $0x0  }
.Ltmp1:
0x16: {  	[sflag:s11] =	ssyncadd.s32 $0xFFFFC400;
	(pc) =	sbr.rel @!p0 .LBB2_33-.Ltmp1, $4  }
0x17: {  	[hbm4b:s7+s9] =	stream.strided.scatter [tilespmem:s14], [sflag:$0x1], $0x2800, s10, s9, $0x38;
	[tilespmem:$0x11880] =	vst v63  }
0x18: {  	_ =	swait.ge [sflag:s11], $0x2800  }
0x19: {  	[sflag:s11] =	ssyncset.done $0x0  }
0x1a: {  	[sflag:s11] =	ssyncadd.s32 $0xFFFFD800  }
.LBB2_1:
0x1b: {  	s0 =	simm.s32 $0x0  }
.LBB2_2:
0x1c: {  	p0 =	sne.s32 s0, $0xA000  }
.Ltmp2:
0x1d: {  	_ = 	snop;
	(pc) =	sbr.rel @p0 .LBB2_2-.Ltmp2, $3  }
0x1e: {  	_ =	sdelay $0x1  }
0x1f: {  	s16 =	sshra.s32 s0, $0x2  }
0x20: {  	s0 =	sadd.s32 $0x40, s0;
	[tilespmem:s16+$0x7800] =	vst v0  }
.Ltmp3:
0x21: {  	(pc) =	sbr.rel .LBB2_4-.Ltmp3, $3  }
0x22: {  	_ =	sdelay $0x1  }
0x23: {  	s16 =	simm.s32 $0x0  }
0x24: {  	s17 =	simm.s32 $0xA080;
	s18 =	simm.s32 $0xDC80;
	s19 =	simm.s32 $0x0  }
.LBB2_31:
0x25: {  	p0 =	sgt.u32 s20, $0x270F  }
0x26: {  	v3 =	vld @!p0 [tilespmem:s21+$0xDC80];
	_ =	sdelay $0x2  }
0x27: {  	v4 =	vld @!p0 [tilespmem:s21+$0xA080];
	_ =	sdelay $0x3  }
0x28: {  	s0 =	simm.s32 @!p0 $0x7800  }
0x29: {  	[tilespmem:v3+s0+$0x0] =	vst.idx.add.f32.msk @!p0 $0xffff, v4  }
0x2a: {  	v3 =	vld @!p0 [tilespmem:s21+$0xDC90];
	_ =	sdelay $0x2  }
0x2b: {  	v4 =	vld @!p0 [tilespmem:s21+$0xA090];
	_ =	sdelay $0x4  }
0x2c: {  	s1 =	sadd.s32 $0x20, s21;
	[tilespmem:v3+s0+$0x0] =	vst.idx.add.f32.msk @!p0 $0xffff, v4  }
0x2d: {  	v3 =	vld @!p0 [tilespmem:s1+$0xDC80];
	_ =	sdelay $0x2  }
0x2e: {  	s19 =	sadd.s32 $0x1, s19;
	v5 =	vlaneseq.u32 @!p0;
	v4 =	vld @!p0 [tilespmem:s1+$0xA080]  }
0x2f: {  	v6 =	vmov @!p0 s22;
	p1 =	sne.s32 s19, $0x140;
	v5 =	vadd.s32 @!p0 s20, v5  }
.Ltmp4:
0x30: {  	v6 =	vadd.f32 @!p0 $0.0e+00, v6;
	(pc) =	sbr.rel @!p1 .LBB2_32-.Ltmp4, $4  }
0x31: {  	_ = 	snop  }
0x32: {  	v6 =	vbroadcast @!p0 v6, $0x0  }
0x33: {  	[tilespmem:v3+s0+$0x0] =	vst.idx.add.f32.msk @!p0 $0xffff, v4  }
0x34: {  	s17 =	sadd.s32 $0x30, s17;
	s18 =	sadd.s32 $0x30, s18;
	[tilespmem:v5+s0+$0x0] =	vst.idx.add.f32.msk @!p0 $0x1, v6  }
.LBB2_4:
0x35: {  	s20 =	sadd.s32 s4, s19  }
0x36: {  	s0 =	sshrl.u32 s20, $0x3  }
0x37: {  	s21 =	sshll.u32 s19, $0x7;
	s0 =	smul.u32 $0x14000, s0  }
0x38: {  	s21 =	sand.u32 $0x380, s21  }
0x39: {  	s0 =	sor.u32 s21, s0  }
0x3a: {  	s0 =	sshrl.u32 s0, $0x3  }
0x3b: {  	s0 =	sadd.s32 s3, s0  }
0x3c: {  	[tilespmem:s16], [sflag:$0x1] =	stream.strided.gather [hbm4b:s0+s9], $0x2800, s10, s9, $0x38;
	[tilespmem:$0x11880] =	vst v63  }
0x3d: {  	_ =	swait.ge [sflag:s11], $0x2800  }
0x3e: {  	[sflag:s11] =	ssyncset.done $0x0  }
0x3f: {  	v3 =	vimm.f32 $-Inf;
	[sflag:s11] =	ssyncadd.s32 $0xFFFFD800  }
0x40: {  	[tilespmem:$0x2710] =	vst v3  }
0x41: {  	[tilespmem:$0x2720] =	vst v3  }
0x42: {  	[tilespmem:$0x2730] =	vst v3  }
0x43: {  	[tilespmem:$0x2740] =	vst v3  }
0x44: {  	[tilespmem:$0x2750] =	vst v3  }
0x45: {  	[tilespmem:$0x2760] =	vst v3  }
0x46: {  	[tilespmem:$0x2770] =	vst v3  }
0x47: {  	[tilespmem:$0x2780] =	vst v3  }
0x48: {  	[tilespmem:$0x2790] =	vst v3  }
0x49: {  	[tilespmem:$0x27A0] =	vst v3  }
0x4a: {  	[tilespmem:$0x27B0] =	vst v3  }
0x4b: {  	[tilespmem:$0x27C0] =	vst v3  }
0x4c: {  	[tilespmem:$0x27D0] =	vst v3  }
0x4d: {  	[tilespmem:$0x27E0] =	vst v3  }
0x4e: {  	s31 =	simm.s32 $0x0;
	[tilespmem:$0x27F0] =	vst v3  }
0x4f: {  	v4 =	vld [tilespmem:s31+$0x30]  }
0x50: {  	v5 =	vld [tilespmem:s31+$0x0]  }
0x51: {  	v6 =	vld [tilespmem:s31+$0x10]  }
0x52: {  	v8 =	vimm.f32 $-Inf;
	v9 =	vimm.f32 $-Inf;
	v10 =	vimm.f32 $-Inf;
	s0 =	simm.s32 $0x100;
	v7 =	vld [tilespmem:s31+$0x20]  }
.LBB2_5:
0x53: {  	p0 =	sne.s32 s0, $0x9F00  }
.Ltmp5:
0x54: {  	s21 =	sshra.s32 s0, $0x2;
	s0 =	sadd.s32 $0x100, s0;
	v3 =	vmax.f32 v3, v4;
	(pc) =	sbr.rel @p0 .LBB2_5-.Ltmp5, $4  }
0x55: {  	v4 =	vld [tilespmem:s21+$0x30];
	v8 =	vmax.f32 v8, v5  }
0x56: {  	v5 =	vld [tilespmem:s21+$0x0];
	v9 =	vmax.f32 v9, v6  }
0x57: {  	v6 =	vld [tilespmem:s21+$0x10];
	v10 =	vmax.f32 v10, v7  }
0x58: {  	v7 =	vld [tilespmem:s21+$0x20]  }
0x59: {  	_ =	sdelay $0x2  }
0x5a: {  	v4 =	vmax.f32 v3, v4  }
0x5b: {  	v5 =	vmax.f32 v8, v5;
	v6 =	vmax.f32 v9, v6;
	v7 =	vmax.f32 v10, v7  }
0x5c: {  	v3 =	vmax.f32 v5, v6;
	v8 =	vmax.f32 v7, v4  }
0x5d: {  	v3 =	vmax.f32 v3, v8  }
0x5e: {  	(xrf0) =	vmax.scan.msk.f32 $0xffff, v3;
	_ =	sdelay $0x5  }
0x5f: {  	v3, _, _ =	vpop (xrf0)  }
0x60: {  	v3 =	vbroadcast v3, $0xF;
	_ =	sdelay $0x1  }
0x61: {  	s21 =	simm.s32 $0x20;
	vm1 =	veq.f32 v5, v3;
	vm0 =	veq.f32 v7, v3;
	vm2 =	veq.f32 v4, v3  }
.LBB2_7:
0x62: {  	p0 =	sne.s32 s21, $0x1;
	s21 =	sadd.s32 $0xFFFFFFFF, s21;
	v5 =	vsel vm1, $0xFF800000, v5;
	vm1 =	veq.f32 v6, v3;
	v4 =	vsel vm2, $0xFF800000, v4  }
0x63: {  	v7 =	vsel vm0, $0xFF800000, v7;
	v6 =	vsel vm1, $0xFF800000, v6  }
0x64: {  	v8 =	vmax.f32 v7, v4;
	v3 =	vmax.f32 v5, v6  }
0x65: {  	v3 =	vmax.f32 v3, v8  }
0x66: {  	(xrf0) =	vmax.scan.msk.f32 $0xffff, v3;
	_ =	sdelay $0x4  }
.Ltmp6:
0x67: {  	(pc) =	sbr.rel @p0 .LBB2_7-.Ltmp6, $3  }
0x68: {  	v8, _, _ =	vpop (xrf0)  }
0x69: {  	v3 =	vbroadcast v8, $0xF;
	_ =	sdelay $0x1  }
0x6a: {  	vm1 =	veq.f32 v5, v3;
	vm0 =	veq.f32 v7, v3;
	vm2 =	veq.f32 v4, v3  }
0x6b: {  	[tilespmem:$0x2800] =	vst v1  }
0x6c: {  	[tilespmem:$0x2810] =	vst v1  }
0x6d: {  	[tilespmem:$0x2820] =	vst v1  }
0x6e: {  	[tilespmem:$0x2830] =	vst v1  }
0x6f: {  	[tilespmem:$0x2840] =	vst v1  }
0x70: {  	[tilespmem:$0x2850] =	vst v1  }
0x71: {  	[tilespmem:$0x2860] =	vst v1  }
0x72: {  	[tilespmem:$0x2870] =	vst v1  }
0x73: {  	[tilespmem:$0x2880] =	vst v1;
	s0 =	simm.s32 $0x20  }
0x74: {  	v4 =	vld [tilespmem:s0+$0xFFFFFFF0]  }
0x75: {  	v5 =	vld [tilespmem:s0+$0x10]  }
0x76: {  	v6 =	vld [tilespmem:s0+$0x0]  }
0x77: {  	v7 =	vld [tilespmem:s0+$0xFFFFFFE0];
	_ =	sdelay $0x4  }
0x78: {  	v4 =	vmax.f32 v7, v4;
	v5 =	vmax.f32 v6, v5  }
0x79: {  	v4 =	vmax.f32 v4, v5  }
0x7a: {  	(xrf0) =	vmax.scan.msk.f32 $0xffff, v4;
	_ =	sdelay $0x5  }
0x7b: {  	(v2sf) =	vpush v8, $0xF;
	v4, _, _ =	vpop (xrf0)  }
0x7c: {  	(v2sf) =	vpush v4, $0xF;
	_ =	sdelay $0xd  }
0x7d: {  	s21 =	spop (v2sf)  }
0x7e: {  	s22 =	spop (v2sf)  }
0x7f: {  	p0 =	sge.f32 s22, s21;
	_ =	sdelay $0x1  }
0x80: {  	s23 =	simm.s32 $0x0;
	s22 =	simm.s32 $0x0;
	vm0 =	vge.f32 @p0 v7, v3;
	v4 =	vlaneseq.u32 @p0  }
0x81: {  	v5 =	vmpcnt.ones.xlane @p0 vm0;
	[tilespmem:s22+$0x2800] =	vst.msk @p0 vm0, v7;
	v6 =	vor.u32 @p0 s23, v4  }
0x82: {  	[tilespmem:s22+$0x5000] =	vst.msk @p0 vm0, v6  }
0x83: {  	v5 =	vxor.u32 @p0 $0x80000000, v5;
	v6 =	vld @p0 [tilespmem:s0+$0xFFFFFFF0]  }
0x84: {  	(xrf0) =	vmax.scan.msk.u32 @p0 $0xffff, v5;
	_ =	sdelay $0x3  }
0x85: {  	vm0 =	vge.f32 @p0 v6, v3  }
0x86: {  	v5 =	vmpcnt.ones.xlane @p0 vm0  }
0x87: {  	v7, _, _ =	vpop @p0 (xrf0)  }
0x88: {  	v5 =	vxor.u32 @p0 $0x80000000, v5;
	(v2sf) =	vpush @p0 v7, $0xF  }
0x89: {  	(xrf0) =	vmax.scan.msk.u32 @p0 $0xffff, v5;
	_ =	sdelay $0x5  }
0x8a: {  	v5, _, _ =	vpop @p0 (xrf0)  }
0x8b: {  	(v2sf) =	vpush @p0 v5, $0xF;
	_ =	sdelay $0x6  }
0x8c: {  	s23 =	spop @p0 (v2sf)  }
0x8d: {  	s23 =	sadd.s32 @p0 $0x0, s23  }
0x8e: {  	s24 =	simm.s32 $0x10;
	s23 =	sadd.s32 @p0 $0x80000000, s23  }
0x8f: {  	v5 =	vor.u32 @p0 s24, v4;
	[tilespmem:s23+$0x2800] =	vst.msk @p0 vm0, v6  }
0x90: {  	[tilespmem:s23+$0x5000] =	vst.msk @p0 vm0, v5  }
0x91: {  	v5 =	vld @p0 [tilespmem:s0+$0x0];
	_ =	sdelay $0x2  }
0x92: {  	s24 =	spop @p0 (v2sf)  }
0x93: {  	s23 =	sadd.s32 @p0 s24, s23  }
0x94: {  	s24 =	simm.s32 $0x20;
	s23 =	sadd.s32 @p0 $0x80000000, s23;
	vm0 =	vge.f32 @p0 v5, v3  }
0x95: {  	v6 =	vor.u32 @p0 s24, v4;
	[tilespmem:s23+$0x2800] =	vst.msk @p0 vm0, v5;
	v5 =	vmpcnt.ones.xlane @p0 vm0  }
0x96: {  	[tilespmem:s23+$0x5000] =	vst.msk @p0 vm0, v6  }
0x97: {  	v6 =	vld @p0 [tilespmem:s0+$0x10];
	v5 =	vxor.u32 @p0 $0x80000000, v5  }
0x98: {  	(xrf0) =	vmax.scan.msk.u32 @p0 $0xffff, v5;
	_ =	sdelay $0x3  }
0x99: {  	vm0 =	vge.f32 @p0 v6, v3  }
0x9a: {  	v5 =	vmpcnt.ones.xlane @p0 vm0  }
0x9b: {  	v7, _, _ =	vpop @p0 (xrf0)  }
0x9c: {  	v5 =	vxor.u32 @p0 $0x80000000, v5;
	(v2sf) =	vpush @p0 v7, $0xF  }
0x9d: {  	(xrf0) =	vmax.scan.msk.u32 @p0 $0xffff, v5;
	_ =	sdelay $0x5  }
0x9e: {  	v5, _, _ =	vpop @p0 (xrf0)  }
0x9f: {  	(v2sf) =	vpush @p0 v5, $0xF;
	_ =	sdelay $0x6  }
0xa0: {  	s0 =	spop @p0 (v2sf)  }
0xa1: {  	s0 =	sadd.s32 @p0 s0, s23  }
0xa2: {  	s23 =	simm.s32 $0x30;
	s0 =	sadd.s32 @p0 $0x80000000, s0  }
0xa3: {  	v4 =	vor.u32 @p0 s23, v4;
	[tilespmem:s0+$0x2800] =	vst.msk @p0 vm0, v6  }
0xa4: {  	s24 =	simm.s32 $0x60;
	[tilespmem:s0+$0x5000] =	vst.msk @p0 vm0, v4  }
0xa5: {  	v5 =	vld [tilespmem:s24+$0xFFFFFFF0]  }
0xa6: {  	v6 =	vld [tilespmem:s24+$0x10]  }
0xa7: {  	v7 =	vld [tilespmem:s24+$0x0]  }
0xa8: {  	v4 =	vld [tilespmem:s24+$0xFFFFFFE0];
	s23 =	spop @p0 (v2sf)  }
0xa9: {  	s0 =	sadd.s32 @p0 s23, s0  }
0xaa: {  	s25 =	simm.s32 $0xB0;
	s23 =	simm.s32 $0x70;
	s0 =	sadd.s32 @p0 $0x80000000, s0  }
.LBB2_9:
0xab: {  	s22 =	smov.u32 @p0 s0;
	s0 =	smov.u32 s25;
	s25 =	sadd.s32 $0x40, s25  }
0xac: {  	p1 =	sne.s32 s25, $0x2830  }
0xad: {  	v6 =	vmax.f32 v7, v6;
	v5 =	vmax.f32 v4, v5  }
0xae: {  	v5 =	vmax.f32 v5, v6  }
0xaf: {  	(xrf0) =	vmax.scan.msk.f32 $0xffff, v5;
	_ =	sdelay $0x5  }
0xb0: {  	v5, _, _ =	vpop (xrf0)  }
0xb1: {  	(v2sf) =	vpush v5, $0xF;
	_ =	sdelay $0xe  }
0xb2: {  	s26 =	spop (v2sf)  }
0xb3: {  	p0 =	sge.f32 s26, s21;
	_ =	sdelay $0x1  }
0xb4: {  	s28 =	sadd.s32 $0xFFFFFFE0, s23;
	s26 =	sadd.s32 $0xFFFFFFD0, s23;
	vm0 =	vge.f32 @p0 v4, v3;
	v5 =	vlaneseq.u32 @p0  }
0xb5: {  	s29 =	sadd.s32 $0xFFFFFFF0, s23;
	v6 =	vmpcnt.ones.xlane @p0 vm0;
	[tilespmem:s22+$0x2800] =	vst.msk @p0 vm0, v4;
	v4 =	vor.u32 @p0 s26, v5;
	v7 =	vor.u32 @p0 s28, v5  }
0xb6: {  	[tilespmem:s22+$0x5000] =	vst.msk @p0 vm0, v4;
	v4 =	vor.u32 @p0 s29, v5;
	v5 =	vor.u32 @p0 s23, v5;
	s23 =	smov.u32 s0  }
0xb7: {  	v6 =	vxor.u32 @p0 $0x80000000, v6;
	v8 =	vld @p0 [tilespmem:s24+$0xFFFFFFF0]  }
0xb8: {  	(xrf0) =	vmax.scan.msk.u32 @p0 $0xffff, v6;
	_ =	sdelay $0x3  }
0xb9: {  	vm0 =	vge.f32 @p0 v8, v3  }
0xba: {  	v6 =	vmpcnt.ones.xlane @p0 vm0  }
0xbb: {  	v9, _, _ =	vpop @p0 (xrf0)  }
0xbc: {  	v6 =	vxor.u32 @p0 $0x80000000, v6;
	(v2sf) =	vpush @p0 v9, $0xF  }
0xbd: {  	(xrf0) =	vmax.scan.msk.u32 @p0 $0xffff, v6;
	_ =	sdelay $0x5  }
0xbe: {  	v6, _, _ =	vpop @p0 (xrf0)  }
0xbf: {  	(v2sf) =	vpush @p0 v6, $0xF;
	_ =	sdelay $0x6  }
0xc0: {  	s0 =	spop @p0 (v2sf)  }
0xc1: {  	s0 =	sadd.s32 @p0 s0, s22  }
0xc2: {  	s0 =	sadd.s32 @p0 $0x80000000, s0  }
0xc3: {  	[tilespmem:s0+$0x2800] =	vst.msk @p0 vm0, v8  }
0xc4: {  	[tilespmem:s0+$0x5000] =	vst.msk @p0 vm0, v7  }
0xc5: {  	v6 =	vld @p0 [tilespmem:s24+$0x0];
	_ =	sdelay $0x2  }
0xc6: {  	s26 =	spop @p0 (v2sf)  }
0xc7: {  	s0 =	sadd.s32 @p0 s26, s0  }
0xc8: {  	s0 =	sadd.s32 @p0 $0x80000000, s0;
	vm0 =	vge.f32 @p0 v6, v3  }
0xc9: {  	v7 =	vmpcnt.ones.xlane @p0 vm0;
	[tilespmem:s0+$0x2800] =	vst.msk @p0 vm0, v6  }
0xca: {  	[tilespmem:s0+$0x5000] =	vst.msk @p0 vm0, v4  }
0xcb: {  	v4 =	vxor.u32 @p0 $0x80000000, v7;
	v6 =	vld @p0 [tilespmem:s24+$0x10]  }
0xcc: {  	(xrf0) =	vmax.scan.msk.u32 @p0 $0xffff, v4;
	_ =	sdelay $0x3  }
0xcd: {  	vm0 =	vge.f32 @p0 v6, v3  }
0xce: {  	v4 =	vmpcnt.ones.xlane @p0 vm0  }
0xcf: {  	v7, _, _ =	vpop @p0 (xrf0)  }
0xd0: {  	v4 =	vxor.u32 @p0 $0x80000000, v4;
	(v2sf) =	vpush @p0 v7, $0xF  }
0xd1: {  	(xrf0) =	vmax.scan.msk.u32 @p0 $0xffff, v4;
	_ =	sdelay $0x5  }
0xd2: {  	v4, _, _ =	vpop @p0 (xrf0)  }
0xd3: {  	(v2sf) =	vpush @p0 v4, $0xF;
	_ =	sdelay $0x6  }
0xd4: {  	s26 =	spop @p0 (v2sf)  }
0xd5: {  	s0 =	sadd.s32 @p0 s26, s0  }
0xd6: {  	s0 =	sadd.s32 @p0 $0x80000000, s0  }
0xd7: {  	[tilespmem:s0+$0x2800] =	vst.msk @p0 vm0, v6  }
0xd8: {  	s24 =	sadd.s32 $0x40, s24;
	[tilespmem:s0+$0x5000] =	vst.msk @p0 vm0, v5  }
0xd9: {  	v5 =	vld [tilespmem:s24+$0xFFFFFFF0]  }
.Ltmp7:
0xda: {  	v6 =	vld [tilespmem:s24+$0x10];
	(pc) =	sbr.rel @p1 .LBB2_9-.Ltmp7, $4  }
0xdb: {  	v7 =	vld [tilespmem:s24+$0x0]  }
0xdc: {  	v4 =	vld [tilespmem:s24+$0xFFFFFFE0];
	s26 =	spop @p0 (v2sf)  }
0xdd: {  	s0 =	sadd.s32 @p0 s26, s0  }
0xde: {  	s0 =	sadd.s32 @p0 $0x80000000, s0  }
0xdf: {  	_ =	sdelay $0x1  }
0xe0: {  	v6 =	vmax.f32 v7, v6;
	v5 =	vmax.f32 v4, v5  }
0xe1: {  	v5 =	vmax.f32 v5, v6  }
0xe2: {  	(xrf0) =	vmax.scan.msk.f32 $0xffff, v5;
	_ =	sdelay $0x5  }
0xe3: {  	v5, _, _ =	vpop (xrf0)  }
0xe4: {  	(v2sf) =	vpush v5, $0xF;
	_ =	sdelay $0xe  }
0xe5: {  	s25 =	spop (v2sf)  }
0xe6: {  	p1 =	sge.f32 s25, s21;
	_ =	sdelay $0x1  }
0xe7: {  	s22 =	smov.u32 @p0 s0;
	s0 =	sadd.s32 $0xFFFFFFD0, s23;
	vm0 =	vge.f32 @p1 v4, v3;
	v5 =	vlaneseq.u32 @p1  }
0xe8: {  	v6 =	vmpcnt.ones.xlane @p1 vm0;
	[tilespmem:s22+$0x2800] =	vst.msk @p1 vm0, v4;
	v4 =	vor.u32 @p1 s0, v5  }
0xe9: {  	[tilespmem:s22+$0x5000] =	vst.msk @p1 vm0, v4  }
0xea: {  	v4 =	vxor.u32 @p1 $0x80000000, v6;
	v6 =	vld @p1 [tilespmem:s24+$0xFFFFFFF0]  }
0xeb: {  	(xrf0) =	vmax.scan.msk.u32 @p1 $0xffff, v4;
	_ =	sdelay $0x3  }
0xec: {  	vm0 =	vge.f32 @p1 v6, v3  }
0xed: {  	v4 =	vmpcnt.ones.xlane @p1 vm0  }
0xee: {  	v7, _, _ =	vpop @p1 (xrf0)  }
0xef: {  	v4 =	vxor.u32 @p1 $0x80000000, v4;
	(v2sf) =	vpush @p1 v7, $0xF  }
0xf0: {  	(xrf0) =	vmax.scan.msk.u32 @p1 $0xffff, v4;
	_ =	sdelay $0x5  }
0xf1: {  	v4, _, _ =	vpop @p1 (xrf0)  }
0xf2: {  	(v2sf) =	vpush @p1 v4, $0xF;
	_ =	sdelay $0x6  }
0xf3: {  	s0 =	spop @p1 (v2sf)  }
0xf4: {  	s0 =	sadd.s32 @p1 s0, s22  }
0xf5: {  	s21 =	sadd.s32 $0xFFFFFFE0, s23;
	s0 =	sadd.s32 @p1 $0x80000000, s0  }
0xf6: {  	v4 =	vor.u32 @p1 s21, v5;
	[tilespmem:s0+$0x2800] =	vst.msk @p1 vm0, v6  }
0xf7: {  	[tilespmem:s0+$0x5000] =	vst.msk @p1 vm0, v4  }
0xf8: {  	v4 =	vld @p1 [tilespmem:s24+$0x0];
	_ =	sdelay $0x2  }
0xf9: {  	s21 =	spop @p1 (v2sf)  }
0xfa: {  	s0 =	sadd.s32 @p1 s21, s0  }
0xfb: {  	s21 =	sadd.s32 $0xFFFFFFF0, s23;
	s0 =	sadd.s32 @p1 $0x80000000, s0;
	vm0 =	vge.f32 @p1 v4, v3  }
0xfc: {  	v6 =	vor.u32 @p1 s21, v5;
	[tilespmem:s0+$0x2800] =	vst.msk @p1 vm0, v4  }
0xfd: {  	[tilespmem:s0+$0x5000] =	vst.msk @p1 vm0, v6  }
0xfe: {  	v4 =	vld @p1 [tilespmem:s24+$0x10];
	_ =	sdelay $0x3  }
0xff: {  	v6 =	vmpcnt.ones.xlane @p1 vm0  }
0x100: {  	vm0 =	vge.f32 @p1 v4, v3  }
0x101: {  	v3 =	vxor.u32 @p1 $0x80000000, v6;
	v6 =	vmpcnt.ones.xlane @p1 vm0  }
0x102: {  	(xrf0) =	vmax.scan.msk.u32 @p1 $0xffff, v3  }
0x103: {  	v3 =	vxor.u32 @p1 $0x80000000, v6  }
0x104: {  	(xrf0) =	vmax.scan.msk.u32 @p1 $0xffff, v3;
	_ =	sdelay $0x3  }
0x105: {  	v3, _, _ =	vpop @p1 (xrf0)  }
0x106: {  	(v2sf) =	vpush @p1 v3, $0xF  }
0x107: {  	v3, _, _ =	vpop @p1 (xrf0)  }
0x108: {  	(v2sf) =	vpush @p1 v3, $0xF;
	_ =	sdelay $0xc  }
0x109: {  	s21 =	spop @p1 (v2sf)  }
0x10a: {  	s0 =	sadd.s32 @p1 s21, s0  }
0x10b: {  	s0 =	sadd.s32 @p1 $0x80000000, s0;
	s21 =	spop @p1 (v2sf)  }
0x10c: {  	s21 =	sadd.s32 @p1 s21, s0  }
0x10d: {  	s21 =	sadd.s32 @p1 $0x80000000, s21  }
0x10e: {  	s22 =	smov.u32 @p1 s21  }
0x10f: {  	s21 =	sadd.s32 $0xF, s22  }
0x110: {  	s28 =	sand.u32 $0xF, s21  }
0x111: {  	s29 =	sshra.s32 s21, $0x1F;
	p6 =	slt.s32 s21, $0x1;
	p2 =	sne.s32 s28, $0x0  }
0x112: {  	s30 =	sshrl.u32 s29, $0x1C;
	p0 =	por !p6, !p2  }
0x113: {  	v3 =	vor.u32 @p1 s23, v5;
	s23 =	simm.s32 $0x1;
	[tilespmem:s0+$0x2800] =	vst.msk @p1 vm0, v4;
	s21 =	sadd.s32 s30, s21;
	p0 =	por !p0, !p0  }
0x114: {  	[tilespmem:s0+$0x5000] =	vst.msk @p1 vm0, v3;
	s0 =	sshra.s32 s21, $0x4;
	s23 =	simm.s32 @!p0 $0x0  }
0x115: {  	s31 =	ssub.s32 s0, s23  }
0x116: {  	p1 =	slt.s32 s31, $0x9  }
.Ltmp8:
0x117: {  	_ = 	snop;
	(pc) =	sbr.rel @!p1 .LBB2_14-.Ltmp8, $4  }
0x118: {  	s21 =	smul.u32 $0x30, s19  }
0x119: {  	[tilespmem:s22+$0x2800] =	vst v1  }
0x11a: {  	[tilespmem:s21+$0xA0A0] =	vst v0  }
0x11b: {  	[tilespmem:s21+$0xDCA0] =	vst v2  }
0x11c: {  	v11 =	vld [tilespmem:$0x2800]  }
0x11d: {  	v12 =	vld [tilespmem:$0x2810]  }
0x11e: {  	v5 =	vld [tilespmem:$0x2820]  }
0x11f: {  	v6 =	vld [tilespmem:$0x2830]  }
0x120: {  	v8 =	vld [tilespmem:$0x2840]  }
0x121: {  	v10 =	vld [tilespmem:$0x2850]  }
0x122: {  	v7 =	vld [tilespmem:$0x2860];
	v13 =	vmax.f32 v11, v12  }
0x123: {  	v9 =	vld [tilespmem:$0x2870];
	v13 =	vmax.f32 v13, v5  }
0x124: {  	v13 =	vmax.f32 v13, v6  }
0x125: {  	v13 =	vmax.f32 v13, v8  }
0x126: {  	v13 =	vmax.f32 v13, v10  }
0x127: {  	v13 =	vmax.f32 v13, v7  }
0x128: {  	v13 =	vmax.f32 v13, v9  }
0x129: {  	(xrf0) =	vmax.scan.msk.f32 $0xffff, v13  }
0x12a: {  	v16 =	vld [tilespmem:$0x5010]  }
0x12b: {  	v13 =	vld [tilespmem:$0x5020]  }
0x12c: {  	v14 =	vld [tilespmem:$0x5000];
	_ =	sdelay $0x2  }
0x12d: {  	v17 =	vxor.u32 $0x80000000, v16;
	v18, _, _ =	vpop (xrf0)  }
0x12e: {  	v16 =	vld [tilespmem:$0x5030];
	v15 =	vxor.u32 $0x80000000, v13;
	v13 =	vbroadcast v18, $0xF;
	(v2sf) =	vpush v18, $0xF  }
0x12f: {  	s22 =	simm.f32 $0.0e+00;
	s23 =	simm.s32 $0x0;
	v4 =	vmov s17;
	v3 =	vmov s18;
	s24 =	simm.s32 $0x4;
	v18 =	vxor.u32 $0x80000000, v14  }
.LBB2_12:
0x130: {  	p0 =	seq.s32 s24, $0x80;
	vm0 =	veq.f32 v11, v13;
	vm1 =	veq.f32 v12, v13;
	s25 =	smov.u32 s24;
	s24 =	sadd.s32 $0x4, s24  }
0x131: {  	v18 =	vnsel vm0, $0xC0000000, v18;
	v17 =	vnsel vm1, $0xC0000000, v17  }
0x132: {  	vm0 =	veq.f32 v5, v13;
	v19 =	vld [tilespmem:$0x5040];
	(xrf0) =	vmin.scan.msk.u32 $0xffff, v18  }
0x133: {  	v15 =	vnsel vm0, $0xC0000000, v15;
	vm0 =	veq.f32 v6, v13;
	v16 =	vxor.u32 $0x80000000, v16;
	(xrf0) =	vmin.scan.msk.u32 $0xffff, v17  }
0x134: {  	v16 =	vnsel vm0, $0xC0000000, v16;
	v17 =	vld [tilespmem:$0x5050];
	(xrf0) =	vmin.scan.msk.u32 $0xffff, v15  }
0x135: {  	(xrf0) =	vmin.scan.msk.u32 $0xffff, v16  }
0x136: {  	v15 =	vld [tilespmem:$0x5060]  }
0x137: {  	vm0 =	veq.f32 v8, v13;
	v16 =	vxor.u32 $0x80000000, v19  }
0x138: {  	v16 =	vnsel vm0, $0xC0000000, v16;
	v18 =	vld [tilespmem:$0x5070];
	v19, _, _ =	vpop (xrf0)  }
0x139: {  	vm0 =	veq.f32 v10, v13;
	v20 =	vxor.u32 $0x80000000, v17;
	(v2sf) =	vpush v19, $0xF;
	v19, _, _ =	vpop (xrf0);
	(xrf0) =	vmin.scan.msk.u32 $0xffff, v16  }
0x13a: {  	v16 =	vnsel vm0, $0xC0000000, v20;
	(v2sf) =	vpush v19, $0xF;
	v17, _, _ =	vpop (xrf0)  }
0x13b: {  	vm0 =	veq.f32 v7, v13;
	v15 =	vxor.u32 $0x80000000, v15;
	(v2sf) =	vpush v17, $0xF;
	v17, _, _ =	vpop (xrf0);
	(xrf0) =	vmin.scan.msk.u32 $0xffff, v16  }
0x13c: {  	v15 =	vnsel vm0, $0xC0000000, v15;
	(v2sf) =	vpush v17, $0xF  }
0x13d: {  	vm0 =	veq.f32 v9, v13;
	v17 =	vxor.u32 $0x80000000, v18;
	s0 =	spop (v2sf);
	(xrf0) =	vmin.scan.msk.u32 $0xffff, v15  }
0x13e: {  	v15 =	vnsel vm0, $0xC0000000, v17;
	s22 =	sadd.f32 s0, s22  }
0x13f: {  	v16, _, _ =	vpop (xrf0);
	(xrf0) =	vmin.scan.msk.u32 $0xffff, v15  }
0x140: {  	(v2sf) =	vpush v16, $0xF  }
0x141: {  	v15, _, _ =	vpop (xrf0)  }
0x142: {  	(v2sf) =	vpush v15, $0xF  }
0x143: {  	v15, _, _ =	vpop (xrf0)  }
0x144: {  	(v2sf) =	vpush v15, $0xF  }
0x145: {  	v15, _, _ =	vpop (xrf0)  }
0x146: {  	(v2sf) =	vpush v15, $0xF;
	_ =	sdelay $0x1  }
0x147: {  	s0 =	spop (v2sf)  }
0x148: {  	s26 =	spop (v2sf)  }
0x149: {  	s0 =	sxor.u32 $0x80000000, s0;
	s26 =	sxor.u32 $0x80000000, s26;
	s28 =	spop (v2sf)  }
0x14a: {  	p1 =	slt.s32 s0, s26;
	s28 =	sxor.u32 $0x80000000, s28;
	s29 =	spop (v2sf)  }
0x14b: {  	s26 =	smov.u32 @p1 s0  }
0x14c: {  	p1 =	slt.s32 s26, s28  }
0x14d: {  	s0 =	sxor.u32 $0x80000000, s29;
	s28 =	smov.u32 @p1 s26  }
0x14e: {  	p1 =	slt.s32 s28, s0;
	s26 =	spop (v2sf)  }
0x14f: {  	s0 =	smov.u32 @p1 s28;
	s26 =	sxor.u32 $0x80000000, s26  }
0x150: {  	p1 =	slt.s32 s0, s26;
	s28 =	spop (v2sf)  }
0x151: {  	s26 =	smov.u32 @p1 s0;
	s0 =	sxor.u32 $0x80000000, s28  }
0x152: {  	p1 =	slt.s32 s26, s0;
	s28 =	spop (v2sf)  }
0x153: {  	s0 =	smov.u32 @p1 s26;
	s26 =	sxor.u32 $0x80000000, s28;
	v15 =	vld [tilespmem:$0x5060]  }
0x154: {  	p1 =	slt.s32 s0, s26;
	v16 =	vld [tilespmem:$0x5050];
	s28 =	spop (v2sf)  }
0x155: {  	s26 =	smov.u32 @p1 s0;
	s0 =	sxor.u32 $0x80000000, s28;
	v17 =	vld [tilespmem:$0x5010]  }
0x156: {  	p1 =	slt.s32 s26, s0;
	v18 =	vld [tilespmem:$0x5030]  }
0x157: {  	s0 =	smov.u32 @p1 s26;
	v19 =	vld [tilespmem:$0x5040]  }
0x158: {  	p1 =	slt.s32 s0, $0x40000000  }
0x159: {  	s0 =	simm.s32 @!p1 $0x40000000;
	v20 =	vld [tilespmem:$0x5070]  }
0x15a: {  	vm0 =	veq.s32 v14, s0;
	vm1 =	veq.s32 v17, s0;
	vm2 =	veq.s32 v16, s0  }
0x15b: {  	v11 =	vsel vm0, $0xFF800000, v11;
	v12 =	vsel vm1, $0xFF800000, v12;
	vm0 =	veq.s32 v18, s0  }
0x15c: {  	v10 =	vsel vm2, $0xFF800000, v10;
	vm2 =	veq.s32 v15, s0;
	[tilespmem:$0x2800] =	vst v11;
	vm1 =	veq.s32 v19, s0  }
0x15d: {  	v6 =	vsel vm0, $0xFF800000, v6;
	v7 =	vsel vm2, $0xFF800000, v7;
	[tilespmem:$0x2810] =	vst v12;
	v8 =	vsel vm1, $0xFF800000, v8  }
0x15e: {  	v11 =	vld [tilespmem:$0x5020];
	vm0 =	veq.s32 v20, s0  }
0x15f: {  	[tilespmem:$0x2840] =	vst v8;
	v8 =	vsel vm0, $0xFF800000, v9  }
0x160: {  	[tilespmem:$0x2850] =	vst v10;
	_ =	sdelay $0x1  }
0x161: {  	[tilespmem:$0x2870] =	vst v8  }
0x162: {  	vm0 =	veq.s32 v11, s0;
	[tilespmem:$0x2860] =	vst v7;
	v7 =	vadd.f32 $0.0e+00, v13  }
0x163: {  	s26 =	sshra.s32 s23, $0x2;
	s23 =	smov.u32 s25;
	v5 =	vsel vm0, $0xFF800000, v5;
	[tilespmem:$0x2830] =	vst v6  }
0x164: {  	v6 =	vmov s0;
	[tilespmem:$0x2820] =	vst v5  }
0x165: {  	[tilespmem:v4+s26+$0x0 ss:$0x1] =	vst.idx.msk $0x1, v7  }
0x166: {  	[tilespmem:v3+s26+$0x0 ss:$0x1] =	vst.idx.msk $0x1, v6  }
0x167: {  	v9 =	vld [tilespmem:$0x5020]  }
0x168: {  	v5 =	vld [tilespmem:$0x2820]  }
0x169: {  	v11 =	vld [tilespmem:$0x2800]  }
0x16a: {  	v12 =	vld [tilespmem:$0x2810]  }
0x16b: {  	v8 =	vld [tilespmem:$0x2840]  }
0x16c: {  	v6 =	vld [tilespmem:$0x2830]  }
0x16d: {  	v10 =	vld [tilespmem:$0x2850]  }
0x16e: {  	v15 =	vxor.u32 $0x80000000, v9;
	v7 =	vld [tilespmem:$0x2860]  }
0x16f: {  	v13 =	vmax.f32 v11, v12;
	v9 =	vld [tilespmem:$0x2870]  }
0x170: {  	v13 =	vmax.f32 v13, v5  }
0x171: {  	v13 =	vmax.f32 v13, v6  }
0x172: {  	v13 =	vmax.f32 v13, v8  }
0x173: {  	v13 =	vmax.f32 v13, v10  }
0x174: {  	v13 =	vmax.f32 v13, v7  }
0x175: {  	v13 =	vmax.f32 v13, v9  }
0x176: {  	(xrf0) =	vmax.scan.msk.f32 $0xffff, v13;
	_ =	sdelay $0x1  }
0x177: {  	v16 =	vld [tilespmem:$0x5010]  }
0x178: {  	v14 =	vld [tilespmem:$0x5000]  }
.Ltmp9:
0x179: {  	(pc) =	sbr.rel @!p0 .LBB2_12-.Ltmp9, $4  }
0x17a: {  	_ = 	snop  }
0x17b: {  	v18, _, _ =	vpop (xrf0)  }
0x17c: {  	v13 =	vbroadcast v18, $0xF;
	v17 =	vxor.u32 $0x80000000, v16;
	v16 =	vld [tilespmem:$0x5030];
	(v2sf) =	vpush v18, $0xF  }
0x17d: {  	v18 =	vxor.u32 $0x80000000, v14  }
0x17e: {  	vm0 =	veq.f32 v11, v13  }
0x17f: {  	vm1 =	veq.f32 v12, v13;
	v18 =	vnsel vm0, $0xC0000000, v18  }
0x180: {  	v19 =	vld [tilespmem:$0x5040];
	v17 =	vnsel vm1, $0xC0000000, v17;
	(xrf0) =	vmin.scan.msk.u32 $0xffff, v18  }
0x181: {  	vm14 =	veq.f32 v5, v13;
	(xrf0) =	vmin.scan.msk.u32 $0xffff, v17  }
0x182: {  	v30 =	vld [tilespmem:$0x5050];
	v15 =	vnsel vm14, $0xC0000000, v15  }
0x183: {  	vm15 =	veq.f32 v6, v13;
	v16 =	vxor.u32 $0x80000000, v16;
	(xrf0) =	vmin.scan.msk.u32 $0xffff, v15  }
0x184: {  	v32 =	vld [tilespmem:$0x5060];
	v31 =	vnsel vm15, $0xC0000000, v16  }
0x185: {  	vm4 =	veq.f32 v8, v13;
	(xrf0) =	vmin.scan.msk.u32 $0xffff, v31;
	v33 =	vxor.u32 $0x80000000, v19  }
0x186: {  	v34 =	vld [tilespmem:$0x5070];
	v15 =	vnsel vm4, $0xC0000000, v33;
	v35, _, _ =	vpop (xrf0)  }
0x187: {  	vm5 =	veq.f32 v10, v13;
	v17 =	vxor.u32 $0x80000000, v30;
	(xrf0) =	vmin.scan.msk.u32 $0xffff, v15;
	(v2sf) =	vpush v35, $0xF;
	v36, _, _ =	vpop (xrf0)  }
0x188: {  	v37 =	vnsel vm5, $0xC0000000, v17;
	(v2sf) =	vpush v36, $0xF  }
0x189: {  	vm6 =	veq.f32 v7, v13;
	v16 =	vxor.u32 $0x80000000, v32;
	(xrf0) =	vmin.scan.msk.u32 $0xffff, v37;
	v38, _, _ =	vpop (xrf0)  }
0x18a: {  	v39 =	vnsel vm6, $0xC0000000, v16;
	(v2sf) =	vpush v38, $0xF  }
0x18b: {  	vm7 =	veq.f32 v9, v13;
	v41 =	vxor.u32 $0x80000000, v34;
	(xrf0) =	vmin.scan.msk.u32 $0xffff, v39;
	v40, _, _ =	vpop (xrf0)  }
0x18c: {  	v42 =	vnsel vm7, $0xC0000000, v41;
	(v2sf) =	vpush v40, $0xF  }
0x18d: {  	v43, _, _ =	vpop (xrf0);
	(xrf0) =	vmin.scan.msk.u32 $0xffff, v42  }
0x18e: {  	(v2sf) =	vpush v43, $0xF  }
0x18f: {  	v44, _, _ =	vpop (xrf0)  }
0x190: {  	(v2sf) =	vpush v44, $0xF  }
0x191: {  	v45, _, _ =	vpop (xrf0)  }
0x192: {  	(v2sf) =	vpush v45, $0xF  }
0x193: {  	v46, _, _ =	vpop (xrf0)  }
0x194: {  	(v2sf) =	vpush v46, $0xF  }
0x195: {  	s24 =	spop (v2sf)  }
0x196: {  	s0 =	spop (v2sf)  }
0x197: {  	s25 =	spop (v2sf)  }
0x198: {  	s0 =	sxor.u32 $0x80000000, s0;
	s25 =	sxor.u32 $0x80000000, s25  }
0x199: {  	s26 =	spop (v2sf);
	p0 =	slt.s32 s0, s25  }
0x19a: {  	s26 =	sxor.u32 $0x80000000, s26;
	s25 =	smov.u32 @p0 s0  }
0x19b: {  	s1 =	spop (v2sf);
	p0 =	slt.s32 s25, s26  }
0x19c: {  	s0 =	sxor.u32 $0x80000000, s1;
	s26 =	smov.u32 @p0 s25  }
0x19d: {  	s28 =	spop (v2sf);
	p0 =	slt.s32 s26, s0  }
0x19e: {  	s25 =	sxor.u32 $0x80000000, s28;
	s0 =	smov.u32 @p0 s26  }
0x19f: {  	s29 =	spop (v2sf);
	p0 =	slt.s32 s0, s25  }
0x1a0: {  	s25 =	smov.u32 @p0 s0;
	s0 =	sxor.u32 $0x80000000, s29  }
0x1a1: {  	s30 =	spop (v2sf);
	p0 =	slt.s32 s25, s0  }
0x1a2: {  	s0 =	smov.u32 @p0 s25;
	s25 =	sxor.u32 $0x80000000, s30  }
0x1a3: {  	s31 =	spop (v2sf);
	p0 =	slt.s32 s0, s25  }
0x1a4: {  	s25 =	smov.u32 @p0 s0;
	s0 =	sxor.u32 $0x80000000, s31  }
0x1a5: {  	v47 =	vld [tilespmem:$0x5010];
	p0 =	slt.s32 s25, s0  }
0x1a6: {  	v48 =	vld [tilespmem:$0x5040];
	s0 =	smov.u32 @p0 s25  }
0x1a7: {  	v49 =	vld [tilespmem:$0x5050];
	p0 =	slt.s32 s0, $0x40000000  }
0x1a8: {  	v50 =	vld [tilespmem:$0x5070];
	s0 =	simm.s32 @!p0 $0x40000000  }
0x1a9: {  	v51 =	vld [tilespmem:$0x5060];
	vm8 =	veq.s32 v14, s0  }
0x1aa: {  	v52 =	vld [tilespmem:$0x5030];
	vm9 =	veq.s32 v47, s0;
	v53 =	vsel vm8, $0xFF800000, v11  }
0x1ab: {  	v55 =	vld [tilespmem:$0x5020];
	vm10 =	veq.s32 v48, s0;
	v54 =	vsel vm9, $0xFF800000, v12;
	[tilespmem:$0x2800] =	vst v53  }
0x1ac: {  	vm11 =	veq.s32 v49, s0;
	v56 =	vsel vm10, $0xFF800000, v8;
	[tilespmem:$0x2810] =	vst v54  }
0x1ad: {  	vm12 =	veq.s32 v50, s0;
	v57 =	vsel vm11, $0xFF800000, v10;
	[tilespmem:$0x2840] =	vst v56  }
0x1ae: {  	vm13 =	veq.s32 v51, s0;
	v58 =	vsel vm12, $0xFF800000, v9;
	[tilespmem:$0x2850] =	vst v57  }
0x1af: {  	vm14 =	veq.s32 v52, s0;
	v59 =	vsel vm13, $0xFF800000, v7;
	[tilespmem:$0x2870] =	vst v58  }
.Ltmp10:
0x1b0: {  	vm15 =	veq.s32 v55, s0;
	v60 =	vsel vm14, $0xFF800000, v6;
	[tilespmem:$0x2860] =	vst v59;
	(pc) =	sbr.rel .LBB2_31-.Ltmp10, $4  }
0x1b1: {  	v61 =	vadd.f32 $0.0e+00, v13;
	v62 =	vsel vm15, $0xFF800000, v5;
	[tilespmem:$0x2830] =	vst v60  }
0x1b2: {  	s23 =	sshra.s32 s23, $0x2;
	[tilespmem:$0x2820] =	vst v62  }
0x1b3: {  	v63 =	vmov s0;
	[tilespmem:v4+s23+$0x0 ss:$0x1] =	vst.idx.msk $0x1, v61  }
0x1b4: {  	s22 =	sadd.f32 s24, s22;
	[tilespmem:v3+s23+$0x0 ss:$0x1] =	vst.idx.msk $0x1, v63  }
.LBB2_14:
0x1b5: {  	s22 =	simm.s32 $0xFFFFFFFF  }
0x1b6: {  	s22 =	simm.s32 @!p0 $0x0  }
0x1b7: {  	s0 =	sadd.s32 s22, s0  }
0x1b8: {  	s24 =	simm.s32 $0x0;
	v3 =	vmov s21;
	s22 =	simm.f32 $0.0e+00;
	s23 =	sadd.s32 $0xFFFFFFF8, s0  }
.LBB2_15:
0x1b9: {  	v13 =	vld [tilespmem:$0x2800]  }
0x1ba: {  	v12 =	vld [tilespmem:$0x2810]  }
0x1bb: {  	v11 =	vld [tilespmem:$0x2820]  }
0x1bc: {  	v10 =	vld [tilespmem:$0x2830]  }
0x1bd: {  	v9 =	vld [tilespmem:$0x2840]  }
0x1be: {  	v8 =	vld [tilespmem:$0x2850]  }
0x1bf: {  	v7 =	vld [tilespmem:$0x2860];
	v4 =	vmax.f32 v13, v12  }
0x1c0: {  	v5 =	vld [tilespmem:$0x2870];
	p0 =	sne.s32 s23, $0x1;
	v4 =	vmax.f32 v4, v11  }
.Ltmp11:
0x1c1: {  	v4 =	vmax.f32 v4, v10;
	(pc) =	sbr.rel @!p0 .LBB2_17-.Ltmp11, $4  }
0x1c2: {  	v4 =	vmax.f32 v4, v9  }
0x1c3: {  	v4 =	vmax.f32 v4, v8  }
0x1c4: {  	s26 =	simm.s32 $0x2880;
	v4 =	vmax.f32 v4, v7  }
0x1c5: {  	s0 =	sadd.s32 $0xFFFFFFFF, s23;
	s25 =	simm.s32 $0x2880;
	v6 =	vld [tilespmem:s26+$0x0];
	v4 =	vmax.f32 v4, v5  }
.LBB2_16:
0x1c6: {  	p1 =	sne.s32 s0, $0x1  }
.Ltmp12:
0x1c7: {  	_ = 	snop;
	(pc) =	sbr.rel @p1 .LBB2_16-.Ltmp12, $3  }
0x1c8: {  	_ =	sdelay $0x1  }
0x1c9: {  	s0 =	sadd.s32 $0xFFFFFFFF, s0;
	s25 =	sadd.s32 $0x10, s25;
	v4 =	vmax.f32 v4, v6  }
0x1ca: {  	v6 =	vld [tilespmem:s25+$0x0]  }
.LBB2_17:
0x1cb: {  	_ =	sdelay $0x3  }
0x1cc: {  	v4 =	vmax.f32 v4, v6  }
0x1cd: {  	(xrf0) =	vmax.scan.msk.f32 $0xffff, v4;
	_ =	sdelay $0x3  }
0x1ce: {  	v14 =	vld [tilespmem:$0x5000]  }
0x1cf: {  	v15 =	vld [tilespmem:$0x5010]  }
0x1d0: {  	v6, _, _ =	vpop (xrf0)  }
0x1d1: {  	v16 =	vld [tilespmem:$0x5020];
	v4 =	vbroadcast v6, $0xF;
	_ =	sdelay $0x1  }
0x1d2: {  	v18 =	vld [tilespmem:$0x5030];
	v17 =	vxor.u32 $0x80000000, v14;
	vm0 =	veq.f32 v13, v4  }
0x1d3: {  	v15 =	vxor.u32 $0x80000000, v15;
	vm9 =	veq.f32 v12, v4;
	v17 =	vnsel vm0, $0xC0000000, v17  }
0x1d4: {  	v15 =	vnsel vm9, $0xC0000000, v15;
	(xrf0) =	vmin.scan.msk.u32 $0xffff, v17;
	v17 =	vld [tilespmem:$0x5040]  }
0x1d5: {  	vm10 =	veq.f32 v11, v4;
	(xrf0) =	vmin.scan.msk.u32 $0xffff, v15;
	v15 =	vxor.u32 $0x80000000, v16  }
0x1d6: {  	v16 =	vld [tilespmem:$0x5050];
	v15 =	vnsel vm10, $0xC0000000, v15  }
0x1d7: {  	vm11 =	veq.f32 v10, v4;
	(xrf0) =	vmin.scan.msk.u32 $0xffff, v15;
	v15 =	vxor.u32 $0x80000000, v18  }
0x1d8: {  	v18 =	vld [tilespmem:$0x5060];
	v15 =	vnsel vm11, $0xC0000000, v15  }
0x1d9: {  	vm12 =	veq.f32 v9, v4;
	(xrf0) =	vmin.scan.msk.u32 $0xffff, v15;
	v15 =	vxor.u32 $0x80000000, v17  }
0x1da: {  	v19 =	vld [tilespmem:$0x5070];
	v17, _, _ =	vpop (xrf0);
	v15 =	vnsel vm12, $0xC0000000, v15  }
0x1db: {  	vm13 =	veq.f32 v8, v4;
	(v2sf) =	vpush v17, $0xF;
	v17, _, _ =	vpop (xrf0);
	(xrf0) =	vmin.scan.msk.u32 $0xffff, v15;
	v15 =	vxor.u32 $0x80000000, v16  }
0x1dc: {  	(v2sf) =	vpush v17, $0xF;
	v15 =	vnsel vm13, $0xC0000000, v15  }
0x1dd: {  	vm14 =	veq.f32 v7, v4;
	v16, _, _ =	vpop (xrf0);
	(xrf0) =	vmin.scan.msk.u32 $0xffff, v15;
	v15 =	vxor.u32 $0x80000000, v18  }
0x1de: {  	(v2sf) =	vpush v16, $0xF;
	v15 =	vnsel vm14, $0xC0000000, v15  }
0x1df: {  	vm15 =	veq.f32 v5, v4;
	v16, _, _ =	vpop (xrf0);
	(xrf0) =	vmin.scan.msk.u32 $0xffff, v15;
	v15 =	vxor.u32 $0x80000000, v19  }
0x1e0: {  	(v2sf) =	vpush v16, $0xF;
	v15 =	vnsel vm15, $0xC0000000, v15  }
0x1e1: {  	v16, _, _ =	vpop (xrf0);
	(xrf0) =	vmin.scan.msk.u32 $0xffff, v15  }
0x1e2: {  	(v2sf) =	vpush v16, $0xF  }
0x1e3: {  	v15, _, _ =	vpop (xrf0)  }
0x1e4: {  	(v2sf) =	vpush v15, $0xF  }
0x1e5: {  	v15, _, _ =	vpop (xrf0)  }
0x1e6: {  	(v2sf) =	vpush v15, $0xF  }
0x1e7: {  	v15, _, _ =	vpop (xrf0)  }
0x1e8: {  	(v2sf) =	vpush v15, $0xF;
	_ =	sdelay $0x1  }
0x1e9: {  	s0 =	spop (v2sf)  }
0x1ea: {  	s25 =	spop (v2sf)  }
0x1eb: {  	s0 =	sxor.u32 $0x80000000, s0;
	s25 =	sxor.u32 $0x80000000, s25  }
0x1ec: {  	s28 =	spop (v2sf);
	p1 =	slt.s32 s0, s25  }
0x1ed: {  	s25 =	smov.u32 @p1 s0;
	s0 =	sxor.u32 $0x80000000, s28  }
0x1ee: {  	s28 =	spop (v2sf);
	p1 =	slt.s32 s25, s0  }
0x1ef: {  	s0 =	smov.u32 @p1 s25;
	s25 =	sxor.u32 $0x80000000, s28  }
0x1f0: {  	s28 =	spop (v2sf);
	p1 =	slt.s32 s0, s25  }
0x1f1: {  	s25 =	smov.u32 @p1 s0;
	s0 =	sxor.u32 $0x80000000, s28  }
0x1f2: {  	s28 =	spop (v2sf);
	p1 =	slt.s32 s25, s0  }
0x1f3: {  	s0 =	smov.u32 @p1 s25;
	s25 =	sxor.u32 $0x80000000, s28  }
0x1f4: {  	s28 =	spop (v2sf);
	p1 =	slt.s32 s0, s25  }
0x1f5: {  	s25 =	smov.u32 @p1 s0;
	s0 =	sxor.u32 $0x80000000, s28  }
0x1f6: {  	p1 =	slt.s32 s25, s0;
	s28 =	spop (v2sf)  }
.Ltmp13:
0x1f7: {  	s0 =	smov.u32 @p1 s25;
	s28 =	sxor.u32 $0x80000000, s28;
	(pc) =	sbr.rel @!p0 .LBB2_18-.Ltmp13, $4  }
0x1f8: {  	p2 =	por $0x0, $0x0;
	p1 =	slt.s32 s0, s28  }
0x1f9: {  	p3 =	por $0x0, $0x0;
	p4 =	por $0x0, $0x0;
	s28 =	smov.u32 @p1 s0  }
0x1fa: {  	v16 =	vld [tilespmem:s26+$0x0];
	s26 =	sadd.s32 $0xFFFFFFFF, s23;
	s25 =	simm.s32 $0x5080;
	p1 =	slt.s32 s28, $0x40000000  }
0x1fb: {  	v15 =	vld [tilespmem:s25+$0x0];
	s0 =	simm.s32 $0x2890;
	s28 =	simm.s32 @!p1 $0x40000000;
	p1 =	por $0x0, $0x0  }
0x1fc: {  	_ = 	snop  }
0x1fd: {  	p5 =	sne.s32 s26, $0x1  }
.Ltmp14:
0x1fe: {  	_ = 	snop;
	(pc) =	sbr.rel @!p5 .LBB2_20-.Ltmp14, $4  }
0x1ff: {  	_ = 	snop  }
0x200: {  	vm0 =	veq.f32 v16, v4;
	v15 =	vxor.u32 $0x80000000, v15  }
0x201: {  	s31 =	simm.s32 $0x5090;
	v16 =	vld [tilespmem:s0+$0x0];
	v17 =	vnsel vm0, $0xC0000000, v15  }
0x202: {  	s29 =	simm.s32 $0x28A0;
	p1 =	por $0x1, $0x1;
	s0 =	sadd.s32 $0xFFFFFFFF, s26;
	v15 =	vld [tilespmem:s31+$0x0];
	(xrf0) =	vmin.scan.msk.u32 $0xffff, v17  }
0x203: {  	_ =	sdelay $0x4  }
0x204: {  	v18, _, _ =	vpop (xrf0)  }
0x205: {  	(v2sf) =	vpush v18, $0xF;
	_ =	sdelay $0x7  }
0x206: {  	p5 =	sne.s32 s0, $0x1  }
.Ltmp15:
0x207: {  	_ = 	snop;
	(pc) =	sbr.rel @!p5 .LBB2_22-.Ltmp15, $4  }
0x208: {  	_ = 	snop  }
0x209: {  	vm0 =	veq.f32 v16, v4;
	v15 =	vxor.u32 $0x80000000, v15  }
0x20a: {  	v16 =	vld [tilespmem:s29+$0x0];
	s29 =	simm.s32 $0x50A0;
	v17 =	vnsel vm0, $0xC0000000, v15  }
0x20b: {  	s0 =	sadd.s32 $0xFFFFFFFF, s0;
	p2 =	por $0x1, $0x1;
	v15 =	vld [tilespmem:s29+$0x0];
	s29 =	simm.s32 $0x28B0;
	(xrf0) =	vmin.scan.msk.u32 $0xffff, v17  }
0x20c: {  	_ =	sdelay $0x4  }
0x20d: {  	v18, _, _ =	vpop (xrf0)  }
0x20e: {  	(v2sf) =	vpush v18, $0xF;
	_ =	sdelay $0x2  }
0x20f: {  	p5 =	sne.s32 s0, $0x1  }
.Ltmp16:
0x210: {  	_ = 	snop;
	(pc) =	sbr.rel @!p5 .LBB2_24-.Ltmp16, $4  }
0x211: {  	_ = 	snop  }
0x212: {  	vm0 =	veq.f32 v16, v4;
	v15 =	vxor.u32 $0x80000000, v15  }
0x213: {  	v16 =	vld [tilespmem:s29+$0x0];
	s29 =	simm.s32 $0x50B0;
	v17 =	vnsel vm0, $0xC0000000, v15  }
0x214: {  	s0 =	sadd.s32 $0xFFFFFFFF, s0;
	p3 =	por $0x1, $0x1;
	v15 =	vld [tilespmem:s29+$0x0];
	s29 =	simm.s32 $0x28C0;
	(xrf0) =	vmin.scan.msk.u32 $0xffff, v17  }
0x215: {  	_ =	sdelay $0x4  }
0x216: {  	v18, _, _ =	vpop (xrf0)  }
0x217: {  	(v2sf) =	vpush v18, $0xF;
	_ =	sdelay $0x2  }
0x218: {  	p5 =	sne.s32 s0, $0x1  }
.Ltmp17:
0x219: {  	s30 =	simm.s32 $0x50C0;
	vm0 =	veq.f32 v16, v4;
	v16 =	vld [tilespmem:s29+$0x0];
	v15 =	vxor.u32 $0x80000000, v15;
	(pc) =	sbr.rel @!p5 .LBB2_26-.Ltmp17, $4  }
0x21a: {  	v17 =	vnsel vm0, $0xC0000000, v15;
	v15 =	vld [tilespmem:s30+$0x0]  }
0x21b: {  	(xrf0) =	vmin.scan.msk.u32 $0xffff, v17  }
0x21c: {  	s31 =	sadd.s32 $0xFFFFFFFF, s0  }
0x21d: {  	s0 =	simm.s32 $0x28D0;
	p4 =	por $0x1, $0x1;
	s29 =	smov.u32 s28  }
.LBB2_27:
0x21e: {  	s1 =	smov.u32 s29  }
0x21f: {  	vm0 =	veq.f32 v16, v4;
	v19 =	vxor.u32 $0x80000000, v15;
	s30 =	sadd.s32 $0x10, s30;
	p5 =	sne.s32 s31, $0x1;
	v16 =	vld [tilespmem:s0+$0x0];
	s29 =	spop (v2sf)  }
.Ltmp18:
0x220: {  	s31 =	sadd.s32 $0xFFFFFFFF, s31;
	v18 =	vnsel vm0, $0xC0000000, v19;
	v15 =	vld [tilespmem:s30+$0x0];
	s29 =	sxor.u32 $0x80000000, s29;
	(pc) =	sbr.rel @p5 .LBB2_27-.Ltmp18, $3  }
0x221: {  	(xrf0) =	vmin.scan.msk.u32 $0xffff, v18;
	v17, _, _ =	vpop (xrf0);
	p6 =	slt.s32 s1, s29  }
0x222: {  	(v2sf) =	vpush v17, $0xF;
	s29 =	smov.u32 @p6 s1;
	_ =	sdelay $0x1  }
0x223: {  	s0 =	sadd.s32 $0x10, s0  }
.LBB2_28:
0x224: {  	vm0 =	veq.f32 v16, v4;
	v15 =	vxor.u32 $0x80000000, v15  }
0x225: {  	v15 =	vnsel vm0, $0xC0000000, v15  }
0x226: {  	(xrf0) =	vmin.scan.msk.u32 $0xffff, v15;
	_ =	sdelay $0x1  }
0x227: {  	v15, _, _ =	vpop @p1 (xrf0)  }
0x228: {  	(v2sf) =	vpush @p1 v15, $0xF;
	_ =	sdelay $0x2  }
0x229: {  	s0 =	spop @p4 (v2sf);
	v58, _, _ =	vpop (xrf0)  }
0x22a: {  	s0 =	sxor.u32 @p4 $0x80000000, s0;
	(v2sf) =	vpush v58, $0xF  }
0x22b: {  	p5 =	slt.s32 @p4 s29, s0  }
0x22c: {  	p5 =	por !p5, !p4  }
0x22d: {  	s1 =	spop @p3 (v2sf);
	s29 =	smov.u32 @p5 s0;
	s0 =	smov.u32 s28  }
0x22e: {  	s1 =	sxor.u32 @p3 $0x80000000, s1;
	s0 =	smov.u32 @p4 s29  }
0x22f: {  	p4 =	slt.s32 @p3 s0, s1  }
0x230: {  	p4 =	por !p4, !p3  }
0x231: {  	s0 =	smov.u32 @p4 s1;
	s1 =	smov.u32 s28;
	s29 =	spop @p2 (v2sf)  }
0x232: {  	s1 =	smov.u32 @p3 s0;
	s0 =	sxor.u32 @p2 $0x80000000, s29  }
0x233: {  	p3 =	slt.s32 @p2 s1, s0  }
0x234: {  	p3 =	por !p3, !p2  }
0x235: {  	s1 =	smov.u32 @p3 s0;
	s0 =	smov.u32 s28;
	s29 =	spop @p1 (v2sf)  }
0x236: {  	s0 =	smov.u32 @p2 s1;
	s1 =	sxor.u32 @p1 $0x80000000, s29  }
0x237: {  	p2 =	slt.s32 @p1 s0, s1  }
0x238: {  	p2 =	por !p2, !p1  }
0x239: {  	v59 =	vld [tilespmem:$0x5010];
	s0 =	smov.u32 @p2 s1;
	s31 =	spop (v2sf)  }
0x23a: {  	v60 =	vld [tilespmem:$0x5020];
	s28 =	smov.u32 @p1 s0;
	s0 =	sxor.u32 $0x80000000, s31  }
0x23b: {  	v17 =	vld [tilespmem:$0x5030];
	p1 =	slt.s32 s28, s0  }
0x23c: {  	v18 =	vld [tilespmem:$0x5040];
	s0 =	smov.u32 @p1 s28  }
0x23d: {  	v61 =	vld [tilespmem:$0x5050];
	vm8 =	veq.s32 v14, s0  }
0x23e: {  	v62 =	vld [tilespmem:$0x5060];
	vm9 =	veq.s32 v59, s0;
	v13 =	vsel vm8, $0xFF800000, v13  }
0x23f: {  	v63 =	vld [tilespmem:$0x5070];
	vm10 =	veq.s32 v60, s0;
	v12 =	vsel vm9, $0xFF800000, v12;
	[tilespmem:$0x2800] =	vst v13  }
0x240: {  	vm11 =	veq.s32 v17, s0;
	v11 =	vsel vm10, $0xFF800000, v11;
	[tilespmem:$0x2810] =	vst v12  }
0x241: {  	vm12 =	veq.s32 v18, s0;
	v10 =	vsel vm11, $0xFF800000, v10;
	[tilespmem:$0x2820] =	vst v11  }
0x242: {  	vm13 =	veq.s32 v61, s0;
	v9 =	vsel vm12, $0xFF800000, v9;
	[tilespmem:$0x2830] =	vst v10  }
.Ltmp19:
0x243: {  	vm14 =	veq.s32 v62, s0;
	v8 =	vsel vm13, $0xFF800000, v8;
	[tilespmem:$0x2840] =	vst v9;
	(pc) =	sbr.rel @!p0 .LBB2_30-.Ltmp19, $4  }
0x244: {  	vm15 =	veq.s32 v63, s0;
	v7 =	vsel vm14, $0xFF800000, v7;
	[tilespmem:$0x2850] =	vst v8  }
0x245: {  	v5 =	vsel vm15, $0xFF800000, v5;
	[tilespmem:$0x2860] =	vst v7  }
0x246: {  	[tilespmem:$0x2870] =	vst v5  }
0x247: {  	v5 =	vmov s0;
	s0 =	simm.s32 $0x2880;
	v7 =	vld [tilespmem:s25+$0x0]  }
.LBB2_29:
0x248: {  	p0 =	sne.s32 s26, $0x1;
	v8 =	vld [tilespmem:s0+$0x0];
	_ =	sdelay $0x2  }
.Ltmp20:
0x249: {  	(pc) =	sbr.rel @p0 .LBB2_29-.Ltmp20, $4  }
0x24a: {  	vm0 =	veq.s32 v7, v5  }
0x24b: {  	v7 =	vsel vm0, $0xFF800000, v8  }
0x24c: {  	s25 =	sadd.s32 $0x10, s25;
	[tilespmem:s0+$0x0] =	vst v7  }
0x24d: {  	s26 =	sadd.s32 $0xFFFFFFFF, s26;
	s0 =	sadd.s32 $0x10, s0;
	v7 =	vld [tilespmem:s25+$0x0]  }
.LBB2_30:
0x24e: {  	(v2sf) =	vpush v6, $0xF;
	_ =	sdelay $0x1  }
0x24f: {  	v63 =	vld [tilespmem:s0+$0x0];
	_ =	sdelay $0x3  }
0x250: {  	vm0 =	veq.s32 v7, v5  }
0x251: {  	v4 =	vadd.f32 $0.0e+00, v4;
	v6 =	vsel vm0, $0xFF800000, v63  }
0x252: {  	[tilespmem:s0+$0x0] =	vst v6  }
0x253: {  	[tilespmem:v3+s24+$0xA080 ss:$0x1] =	vst.idx.msk $0x1, v4  }
0x254: {  	[tilespmem:v3+s24+$0xDC80 ss:$0x1] =	vst.idx.msk $0x1, v5;
	s24 =	sadd.s32 $0x1, s24  }
0x255: {  	p0 =	sne.s32 s24, $0x21  }
.Ltmp21:
0x256: {  	_ = 	snop;
	(pc) =	sbr.rel @p0 .LBB2_15-.Ltmp21, $4  }
.Ltmp22:
0x257: {  	_ = 	snop;
	(pc) =	sbr.rel @!p0 .LBB2_31-.Ltmp22, $4  }
0x258: {  	_ = 	snop  }
0x259: {  	s31 =	spop (v2sf)  }
0x25a: {  	s22 =	sadd.f32 s31, s22  }
0x25b: {  	_ = 	snop  }
.LBB2_18:
.Ltmp23:
0x25c: {  	(pc) =	sbr.rel .LBB2_28-.Ltmp23, $2  }
0x25d: {  	_ =	sdelay $0x2  }
0x25e: {  	s29 =	smov.u32 s28  }
.LBB2_20:
.Ltmp24:
0x25f: {  	(pc) =	sbr.rel .LBB2_28-.Ltmp24, $2  }
0x260: {  	_ =	sdelay $0x2  }
0x261: {  	s29 =	smov.u32 s28  }
.LBB2_22:
.Ltmp25:
0x262: {  	(pc) =	sbr.rel .LBB2_28-.Ltmp25, $2  }
0x263: {  	_ =	sdelay $0x2  }
0x264: {  	s29 =	smov.u32 s28  }
.LBB2_24:
.Ltmp26:
0x265: {  	(pc) =	sbr.rel .LBB2_28-.Ltmp26, $2  }
0x266: {  	_ =	sdelay $0x3  }
0x267: {  	s29 =	smov.u32 s28  }
.LBB2_26:
.Ltmp27:
0x268: {  	(pc) =	sbr.rel .LBB2_28-.Ltmp27, $2  }
0x269: {  	_ =	sdelay $0x2  }
0x26a: {  	s29 =	smov.u32 s28  }
.LBB2_33:
0x26b: {  	_ =	sfence.sel $0x180000  }
0x26c: {  	[bflag:$0x0] =	sbarrier.arrive $0xFFFF  }
0x26d: {  	_ =	strace $0x90000047  }
0x26e: {  	s0 =	stileid.u32;
	[bflag:$0x2] =	sbarrier.arrive $0xFFFF  }
0x26f: {  	p0 =	sne.s32 s0, $0x0;
	s0 =	rddreg [dreg:$0x4]  }
0x270: {  	s0 =	sadd.s32 @!p0 $0x100000, s0  }
0x271: {  	[sflag:s0] =	ssyncadd.tile.s32 @!p0 $0x1;
	_ =	shalt  }
.Lfunc_end2:
_tile_overlayer_lowered:
.L_overlay_start_2:
0x272: {  	(tag) =	ssettag $0x2  }
0x273: {  	s0 =	rddreg [dreg:$0x0];
	s2 =	stileid.u32  }
0x274: {  	s1 =	rddreg [dreg:$0x1];
	p0 =	sne.s32 s2, $0x0  }
0x275: {  	s3 =	rddreg [dreg:$0x2];
	[bflag:$0x3] =	sbarrier.arrive $0xFFFF;
	s2 =	simm.s32 @!p0 $0x1C01  }
0x276: {  	[timem:s3], [sflag:s2] =	dma.local @!p0 [hbm:s0], s1  }
0x277: {  	s0 =	simm.s32 @!p0 $0x1  }
0x278: {  	_ =	swait.ge @!p0 [sflag:s0], s1  }
0x279: {  	s1 =	ssub.s32 @!p0 $0x0, s1;
	[sflag:s0] =	ssyncset.done @!p0 $0x0  }
0x27a: {  	[sflag:s0] =	ssyncadd.s32 @!p0 s1  }
0x27b: {  	[bflag:$0x3] =	sbarrier.arrive $0xFFFF  }
0x27c: {  	_ =	shalt  }

</sc_bundles>
